<compile_context>
chip_gen: v7x
topology: tpu7x:2x2x1
jax: 0.10.2.dev20260603
libtpu: 0.0.44.dev20260713+nightly
codegen_flags: <defaults>
</compile_context>

<pallas_src>
import jax
import jax.numpy as jnp
from jax.experimental import pallas as pl
from jax.experimental.pallas import tpu as pltpu
from jax.experimental.pallas import tpu_sc as plsc

E = 8
TOPK = 2
H = 1024
FF = 4096
T = 16
FB = 1024


def _router_sc(x_hbm, rw_hbm, logits_hbm, scores_hbm, xv, rwv, lv, sv):
    c = jax.lax.axis_index("c")
    s = jax.lax.axis_index("s")

    idx = jax.lax.iota(jnp.int32, 16)

    def _perm(v, p):
        dnums = jax.lax.GatherDimensionNumbers(
            offset_dims=(), collapsed_slice_dims=(0,), start_index_map=(0,))
        return jax.lax.gather(
            v, p[:, None], dnums, (1,),
            mode=jax.lax.GatherScatterMode.PROMISE_IN_BOUNDS)

    def _allred(v, op):
        for k in (8, 4, 2, 1):
            v = op(v, _perm(v, idx ^ k))
        return v

    def _rnd_bf16(v):
        u = jax.lax.bitcast_convert_type(v, jnp.uint32)
        u = ((u + jnp.uint32(0x7FFF) + ((u >> jnp.uint32(16))
                                        & jnp.uint32(1)))
             & jnp.uint32(0xFFFF0000))
        return jax.lax.bitcast_convert_type(u, jnp.float32)

    @pl.when(s < T // 2)
    def _work():
        t = c * (T // 2) + s
        pltpu.sync_copy(x_hbm.at[t], xv)
        pltpu.sync_copy(rw_hbm, rwv)

        def body(i, accs):
            xc = _rnd_bf16(xv[pl.ds(i * 16, 16)])
            return tuple(
                accs[e] + xc * _rnd_bf16(rwv[e, pl.ds(i * 16, 16)])
                for e in range(E))
        accs = jax.lax.fori_loop(
            0, H // 16, body,
            tuple(jnp.zeros((16,), jnp.float32) for _ in range(E)))
        logits = jnp.full((16,), -jnp.inf, jnp.float32)
        for e in range(E):
            logits = jnp.where(idx == e, _allred(accs[e], jnp.add), logits)
        m1 = _allred(logits, jnp.maximum)
        i1 = _allred(jnp.where(logits == m1, idx, 16), jnp.minimum)
        mask1 = idx == i1
        l2 = jnp.where(mask1, -jnp.inf, logits)
        m2 = _allred(l2, jnp.maximum)
        i2 = _allred(jnp.where(l2 == m2, idx, 16), jnp.minimum)
        mask = mask1 | (idx == i2)
        sig = 1.0 / (1.0 + jnp.exp(-logits))
        scores = jnp.where(mask, sig, 0.0)
        lv[...] = logits
        sv[...] = scores
        pltpu.sync_copy(lv.at[pl.ds(0, E)], logits_hbm.at[pl.ds(t * E, E)])
        pltpu.sync_copy(sv.at[pl.ds(0, E)], scores_hbm.at[pl.ds(t * E, E)])


def _router(x, rw):
    return pl.kernel(
        _router_sc,
        out_type=[jax.ShapeDtypeStruct((T * E,), jnp.float32),
                  jax.ShapeDtypeStruct((T * E,), jnp.float32)],
        mesh=plsc.VectorSubcoreMesh(core_axis_name="c", subcore_axis_name="s"),
        scratch_types=[pltpu.VMEM((H,), jnp.float32),
                       pltpu.VMEM((E, H), jnp.float32),
                       pltpu.VMEM((16,), jnp.float32),
                       pltpu.VMEM((16,), jnp.float32)],
    )(x, rw)


def _ffn_kernel(x_ref, sc_ref, wg_ref, wu_ref, wd_ref, out_ref):
    e = pl.program_id(0)
    f = pl.program_id(1)

    @pl.when(jnp.logical_and(e == 0, f == 0))
    def _init():
        out_ref[...] = jnp.zeros_like(out_ref)

    col = jax.lax.broadcasted_iota(jnp.int32, (T, E), 1)
    s = jnp.sum(jnp.where(col == e, sc_ref[...], 0.0), axis=1, keepdims=True)
    xs = x_ref[...] * s
    gate = jnp.dot(xs, wg_ref[0], preferred_element_type=jnp.float32)
    up = jnp.dot(xs, wu_ref[0], preferred_element_type=jnp.float32)
    act = up * (gate * jax.nn.sigmoid(gate))
    out_ref[...] += jnp.dot(act, wd_ref[0], preferred_element_type=jnp.float32)


def _ffn(x, scores, gate_up_proj, down_proj):
    nf = FF // FB
    return pl.pallas_call(
        _ffn_kernel,
        grid=(E, nf),
        in_specs=[
            pl.BlockSpec((T, H), lambda e, f: (0, 0)),
            pl.BlockSpec((T, E), lambda e, f: (0, 0)),
            pl.BlockSpec((1, H, FB), lambda e, f: (e, 0, f)),
            pl.BlockSpec((1, H, FB), lambda e, f: (e, 0, f + FF // FB)),
            pl.BlockSpec((1, FB, H), lambda e, f: (e, f, 0)),
        ],
        out_specs=pl.BlockSpec((T, H), lambda e, f: (0, 0)),
        out_shape=jax.ShapeDtypeStruct((T, H), jnp.float32),
    )(x, scores, gate_up_proj, gate_up_proj, down_proj)


def kernel(hidden_states, router_weight, gate_up_proj, down_proj):
    x = hidden_states.reshape(-1, H)
    logits, scores = _router(x, router_weight)
    logits = logits.reshape(T, E)
    scores = scores.reshape(T, E)
    out = _ffn(x, scores, gate_up_proj, down_proj)
    return out, logits

# --- scband reference (transcript-rebuilt; emitter-appended) ---
"""Pipeline reference for scband-llama-moe-layer-27582279975235 (READ-ONLY COPY).

The authoritative reference and input builder live on the scoring server;
editing this copy changes nothing except your own understanding.
"""

import jax, jax.numpy as jnp
import numpy as np

E = 8
TOPK = 2
H = 1024
FF = 4096
T = 16


def setup_inputs(seed: int = 0) -> dict:
    key = jax.random.key(seed)
    k0, k1, k2, k3 = jax.random.split(key, 4)
    hidden_states = jax.random.normal(k0, (T, H), dtype=jnp.float32)
    router_weight = jax.random.normal(k1, (E, H), dtype=jnp.float32) * 0.02
    gate_up_proj = jax.random.normal(k2, (E, H, 2 * FF), dtype=jnp.float32) * 0.02
    down_proj = jax.random.normal(k3, (E, FF, H), dtype=jnp.float32) * 0.02
    return {
        'hidden_states': hidden_states,
        'router_weight': router_weight,
        'gate_up_proj': gate_up_proj,
        'down_proj': down_proj,
    }


def reference(hidden_states, router_weight, gate_up_proj, down_proj):
    x = hidden_states.reshape(-1, H)
    n_tok = x.shape[0]
    # LlamaRouter: linear -> top_k -> scatter into -inf -> sigmoid
    router_logits = x @ router_weight.T  # (T, E)
    top_vals, top_idx = jax.lax.top_k(router_logits, TOPK)
    router_scores = jnp.full_like(router_logits, -jnp.inf)
    router_scores = router_scores.at[jnp.arange(n_tok)[:, None], top_idx].set(top_vals)
    router_scores = jax.nn.sigmoid(router_scores.astype(jnp.float32)).astype(router_logits.dtype)
    # replicate tokens per expert and scale by score (dense masked-MoE formulation)
    routed_in = jnp.tile(x, (E, 1))  # (E*T, H), like torch repeat
    routed_in = routed_in * router_scores.T.reshape(-1, 1)
    # LlamaExperts
    h = routed_in.reshape(E, n_tok, H)
    gate_up = jnp.einsum('eth,ehf->etf', h, gate_up_proj)  # bmm
    gate, up = jnp.split(gate_up, 2, axis=-1)
    next_states = jnp.einsum('etf,efh->eth', up * jax.nn.silu(gate), down_proj)
    routed_out = next_states.reshape(-1, H)
    out = routed_out.reshape(E, n_tok, H).sum(axis=0)
    return out, router_logits

if __name__ == "__main__":
    import jax
    _d = setup_inputs()
    print(jax.jit(kernel)(*tuple(_d.values())))

</pallas_src>

<mosaic_0001>
#map = affine_map<(d0, d1) -> (0, 0)>
#map1 = affine_map<(d0, d1) -> (0)>
module attributes {stable_mosaic.version = 14 : i64} {
  func.func @_router_sc(%arg0: i32, %arg1: i32, %arg2: memref<16x1024xf32, #tpu.memory_space<hbm>>, %arg3: memref<8x1024xf32, #tpu.memory_space<hbm>>, %arg4: memref<128xf32, #tpu.memory_space<hbm>>, %arg5: memref<128xf32, #tpu.memory_space<hbm>>, %arg6: memref<1024xf32, #tpu.memory_space<vmem>>, %arg7: memref<8x1024xf32, #tpu.memory_space<vmem>>, %arg8: memref<16xf32, #tpu.memory_space<vmem>>, %arg9: memref<16xf32, #tpu.memory_space<vmem>>) attributes {dimension_semantics = [#tpu.dimension_semantics<core_parallel>, #tpu.dimension_semantics<subcore_parallel>], iteration_bounds = array<i64: 2, 16>, scalar_prefetch = 0 : i64, scratch_operands = 4 : i64, tpu.core_type = #tpu.core_type<sc_vector_subcore>, window_params = [{transform_indices = #map}, {transform_indices = #map}, {transform_indices = #map1}, {transform_indices = #map1}]} {
    %iota3A = tpu.iota {dimensions = array<i32: 0>} : vector<16xi32>
    %lt3A = arith.constant 8 : i32
    %lt3A_0 = arith.cmpi slt, %arg1, %lt3A : i32
    %convert_element_type3A = arith.extui %lt3A_0 : i1 to i32
    %cond3A = arith.constant 0 : i32
    %cond3A_1 = arith.cmpi ne, %convert_element_type3A, %cond3A : i32
    scf.if %cond3A_1 {
      %mul3A = arith.constant 8 : i32
      %mul3A_2 = arith.muli %arg0, %mul3A : i32
      %add3A = arith.addi %mul3A_2, %arg1 : i32
      "tpu.region"() ({
        %run_scoped3A = tpu.sem_alloc : memref<!tpu.dma_semaphore, #tpu.memory_space<semaphore_mem>>
        %dma_start3A = arith.constant 0 : i32
        %dma_start3A_420 = tpu.memref_slice %arg2[%add3A, %dma_start3A] : memref<16x1024xf32, #tpu.memory_space<hbm>> -> memref<1x1024xf32, #tpu.memory_space<hbm>>
        %dma_start3A_421 = tpu.memref_squeeze %dma_start3A_420 : memref<1x1024xf32, #tpu.memory_space<hbm>> -> memref<1024xf32, #tpu.memory_space<hbm>>
        %dma_start3A_422 = arith.constant 0 : i32
        %dma_start3A_423 = tpu.memref_slice %arg2[%add3A, %dma_start3A_422] : memref<16x1024xf32, #tpu.memory_space<hbm>> -> memref<1x1024xf32, #tpu.memory_space<hbm>>
        %dma_start3A_424 = tpu.memref_squeeze %dma_start3A_423 : memref<1x1024xf32, #tpu.memory_space<hbm>> -> memref<1024xf32, #tpu.memory_space<hbm>>
        tpu.enqueue_dma source(%dma_start3A_424 : memref<1024xf32, #tpu.memory_space<hbm>>) target(%arg6 : memref<1024xf32, #tpu.memory_space<vmem>>) target_semaphore(%run_scoped3A : memref<!tpu.dma_semaphore, #tpu.memory_space<semaphore_mem>>)
        %dma_wait3A = arith.constant 0 : i32
        %dma_wait3A_425 = tpu.memref_slice %arg2[%add3A, %dma_wait3A] : memref<16x1024xf32, #tpu.memory_space<hbm>> -> memref<1x1024xf32, #tpu.memory_space<hbm>>
        %dma_wait3A_426 = tpu.memref_squeeze %dma_wait3A_425 : memref<1x1024xf32, #tpu.memory_space<hbm>> -> memref<1024xf32, #tpu.memory_space<hbm>>
        %dma_wait3A_427 = arith.constant 0 : i32
        %dma_wait3A_428 = tpu.memref_slice %arg2[%add3A, %dma_wait3A_427] : memref<16x1024xf32, #tpu.memory_space<hbm>> -> memref<1x1024xf32, #tpu.memory_space<hbm>>
        %dma_wait3A_429 = tpu.memref_squeeze %dma_wait3A_428 : memref<1x1024xf32, #tpu.memory_space<hbm>> -> memref<1024xf32, #tpu.memory_space<hbm>>
        tpu.wait_dma2 semaphore(%run_scoped3A : memref<!tpu.dma_semaphore, #tpu.memory_space<semaphore_mem>>) src(%dma_wait3A_429 : memref<1024xf32, #tpu.memory_space<hbm>>) dst(%arg6 : memref<1024xf32, #tpu.memory_space<vmem>>)
        tpu.yield
      }) : () -> ()
      "tpu.region"() ({
        %run_scoped3A = tpu.sem_alloc : memref<!tpu.dma_semaphore, #tpu.memory_space<semaphore_mem>>
        tpu.enqueue_dma source(%arg3 : memref<8x1024xf32, #tpu.memory_space<hbm>>) target(%arg7 : memref<8x1024xf32, #tpu.memory_space<vmem>>) target_semaphore(%run_scoped3A : memref<!tpu.dma_semaphore, #tpu.memory_space<semaphore_mem>>)
        tpu.wait_dma2 semaphore(%run_scoped3A : memref<!tpu.dma_semaphore, #tpu.memory_space<semaphore_mem>>) src(%arg3 : memref<8x1024xf32, #tpu.memory_space<hbm>>) dst(%arg7 : memref<8x1024xf32, #tpu.memory_space<vmem>>)
        tpu.yield
      }) : () -> ()
      %broadcast_in_dim3A = arith.constant 0.000000e+00 : f32
      %broadcast_in_dim3A_3 = vector.broadcast %broadcast_in_dim3A : f32 to vector<16xf32>
      %broadcast_in_dim3A_4 = arith.constant 0.000000e+00 : f32
      %broadcast_in_dim3A_5 = vector.broadcast %broadcast_in_dim3A_4 : f32 to vector<16xf32>
      %broadcast_in_dim3A_6 = arith.constant 0.000000e+00 : f32
      %broadcast_in_dim3A_7 = vector.broadcast %broadcast_in_dim3A_6 : f32 to vector<16xf32>
      %broadcast_in_dim3A_8 = arith.constant 0.000000e+00 : f32
      %broadcast_in_dim3A_9 = vector.broadcast %broadcast_in_dim3A_8 : f32 to vector<16xf32>
      %broadcast_in_dim3A_10 = arith.constant 0.000000e+00 : f32
      %broadcast_in_dim3A_11 = vector.broadcast %broadcast_in_dim3A_10 : f32 to vector<16xf32>
      %broadcast_in_dim3A_12 = arith.constant 0.000000e+00 : f32
      %broadcast_in_dim3A_13 = vector.broadcast %broadcast_in_dim3A_12 : f32 to vector<16xf32>
      %broadcast_in_dim3A_14 = arith.constant 0.000000e+00 : f32
      %broadcast_in_dim3A_15 = vector.broadcast %broadcast_in_dim3A_14 : f32 to vector<16xf32>
      %broadcast_in_dim3A_16 = arith.constant 0.000000e+00 : f32
      %broadcast_in_dim3A_17 = vector.broadcast %broadcast_in_dim3A_16 : f32 to vector<16xf32>
      %scan3A = arith.constant 0 : i32
      %scan3A_18 = arith.constant 64 : i32
      %scan3A_19 = arith.addi %scan3A, %scan3A_18 : i32
      %scan3A_20 = arith.constant 1 : i32
      %scan3A_21:8 = scf.for %scan3A_420 = %scan3A to %scan3A_19 step %scan3A_20 iter_args(%scan3A_421 = %broadcast_in_dim3A_3, %scan3A_422 = %broadcast_in_dim3A_5, %scan3A_423 = %broadcast_in_dim3A_7, %scan3A_424 = %broadcast_in_dim3A_9, %scan3A_425 = %broadcast_in_dim3A_11, %scan3A_426 = %broadcast_in_dim3A_13, %scan3A_427 = %broadcast_in_dim3A_15, %scan3A_428 = %broadcast_in_dim3A_17) -> (vector<16xf32>, vector<16xf32>, vector<16xf32>, vector<16xf32>, vector<16xf32>, vector<16xf32>, vector<16xf32>, vector<16xf32>)  : i32 {
        %mul3A_429 = arith.constant 16 : i32
        %mul3A_430 = arith.muli %scan3A_420, %mul3A_429 : i32
        %get3A = arith.index_cast %mul3A_430 : i32 to index
        %get3A_431 = tpu.vector_load %arg6[%get3A] {strides = array<i32>} : memref<1024xf32, #tpu.memory_space<vmem>>, vector<16xf32>,
        %get3A_432 = vector.shape_cast %get3A_431 : vector<16xf32> to vector<16xf32>
        %bitcast_convert_type3A = tpu.bitcast %get3A_432 : vector<16xf32> -> vector<16xi32>
        %add3A_433 = arith.constant 32767 : i32
        %add3A_434 = vector.broadcast %add3A_433 : i32 to vector<16xi32>
        %add3A_435 = arith.addi %bitcast_convert_type3A, %add3A_434 : vector<16xi32>
        %shift_right_logical3A = arith.constant 16 : i32
        %shift_right_logical3A_436 = vector.broadcast %shift_right_logical3A : i32 to vector<16xi32>
        %shift_right_logical3A_437 = arith.shrui %bitcast_convert_type3A, %shift_right_logical3A_436 : vector<16xi32>
        %and3A = arith.constant 1 : i32
        %and3A_438 = vector.broadcast %and3A : i32 to vector<16xi32>
        %and3A_439 = arith.andi %shift_right_logical3A_437, %and3A_438 : vector<16xi32>
        %add3A_440 = arith.addi %add3A_435, %and3A_439 : vector<16xi32>
        %and3A_441 = arith.constant -65536 : i32
        %and3A_442 = vector.broadcast %and3A_441 : i32 to vector<16xi32>
        %and3A_443 = arith.andi %add3A_440, %and3A_442 : vector<16xi32>
        %bitcast_convert_type3A_444 = tpu.bitcast %and3A_443 : vector<16xi32> -> vector<16xf32>
        %mul3A_445 = arith.constant 16 : i32
        %mul3A_446 = arith.muli %scan3A_420, %mul3A_445 : i32
        %get3A_447 = arith.constant 0 : i32
        %get3A_448 = arith.index_cast %get3A_447 : i32 to index
        %get3A_449 = arith.index_cast %mul3A_446 : i32 to index
        %get3A_450 = tpu.vector_load %arg7[%get3A_448, %get3A_449] {strides = array<i32>} : memref<8x1024xf32, #tpu.memory_space<vmem>>, vector<1x16xf32>,
        %get3A_451 = vector.shape_cast %get3A_450 : vector<1x16xf32> to vector<16xf32>
        %bitcast_convert_type3A_452 = tpu.bitcast %get3A_451 : vector<16xf32> -> vector<16xi32>
        %add3A_453 = arith.constant 32767 : i32
        %add3A_454 = vector.broadcast %add3A_453 : i32 to vector<16xi32>
        %add3A_455 = arith.addi %bitcast_convert_type3A_452, %add3A_454 : vector<16xi32>
        %shift_right_logical3A_456 = arith.constant 16 : i32
        %shift_right_logical3A_457 = vector.broadcast %shift_right_logical3A_456 : i32 to vector<16xi32>
        %shift_right_logical3A_458 = arith.shrui %bitcast_convert_type3A_452, %shift_right_logical3A_457 : vector<16xi32>
        %and3A_459 = arith.constant 1 : i32
        %and3A_460 = vector.broadcast %and3A_459 : i32 to vector<16xi32>
        %and3A_461 = arith.andi %shift_right_logical3A_458, %and3A_460 : vector<16xi32>
        %add3A_462 = arith.addi %add3A_455, %and3A_461 : vector<16xi32>
        %and3A_463 = arith.constant -65536 : i32
        %and3A_464 = vector.broadcast %and3A_463 : i32 to vector<16xi32>
        %and3A_465 = arith.andi %add3A_462, %and3A_464 : vector<16xi32>
        %bitcast_convert_type3A_466 = tpu.bitcast %and3A_465 : vector<16xi32> -> vector<16xf32>
        %mul3A_467 = arith.mulf %bitcast_convert_type3A_444, %bitcast_convert_type3A_466 : vector<16xf32>
        %add3A_468 = arith.addf %scan3A_421, %mul3A_467 : vector<16xf32>
        %mul3A_469 = arith.constant 16 : i32
        %mul3A_470 = arith.muli %scan3A_420, %mul3A_469 : i32
        %get3A_471 = arith.constant 1 : i32
        %get3A_472 = arith.index_cast %get3A_471 : i32 to index
        %get3A_473 = arith.index_cast %mul3A_470 : i32 to index
        %get3A_474 = tpu.vector_load %arg7[%get3A_472, %get3A_473] {strides = array<i32>} : memref<8x1024xf32, #tpu.memory_space<vmem>>, vector<1x16xf32>,
        %get3A_475 = vector.shape_cast %get3A_474 : vector<1x16xf32> to vector<16xf32>
        %bitcast_convert_type3A_476 = tpu.bitcast %get3A_475 : vector<16xf32> -> vector<16xi32>
        %add3A_477 = arith.constant 32767 : i32
        %add3A_478 = vector.broadcast %add3A_477 : i32 to vector<16xi32>
        %add3A_479 = arith.addi %bitcast_convert_type3A_476, %add3A_478 : vector<16xi32>
        %shift_right_logical3A_480 = arith.constant 16 : i32
        %shift_right_logical3A_481 = vector.broadcast %shift_right_logical3A_480 : i32 to vector<16xi32>
        %shift_right_logical3A_482 = arith.shrui %bitcast_convert_type3A_476, %shift_right_logical3A_481 : vector<16xi32>
        %and3A_483 = arith.constant 1 : i32
        %and3A_484 = vector.broadcast %and3A_483 : i32 to vector<16xi32>
        %and3A_485 = arith.andi %shift_right_logical3A_482, %and3A_484 : vector<16xi32>
        %add3A_486 = arith.addi %add3A_479, %and3A_485 : vector<16xi32>
        %and3A_487 = arith.constant -65536 : i32
        %and3A_488 = vector.broadcast %and3A_487 : i32 to vector<16xi32>
        %and3A_489 = arith.andi %add3A_486, %and3A_488 : vector<16xi32>
        %bitcast_convert_type3A_490 = tpu.bitcast %and3A_489 : vector<16xi32> -> vector<16xf32>
        %mul3A_491 = arith.mulf %bitcast_convert_type3A_444, %bitcast_convert_type3A_490 : vector<16xf32>
        %add3A_492 = arith.addf %scan3A_422, %mul3A_491 : vector<16xf32>
        %mul3A_493 = arith.constant 16 : i32
        %mul3A_494 = arith.muli %scan3A_420, %mul3A_493 : i32
        %get3A_495 = arith.constant 2 : i32
        %get3A_496 = arith.index_cast %get3A_495 : i32 to index
        %get3A_497 = arith.index_cast %mul3A_494 : i32 to index
        %get3A_498 = tpu.vector_load %arg7[%get3A_496, %get3A_497] {strides = array<i32>} : memref<8x1024xf32, #tpu.memory_space<vmem>>, vector<1x16xf32>,
        %get3A_499 = vector.shape_cast %get3A_498 : vector<1x16xf32> to vector<16xf32>
        %bitcast_convert_type3A_500 = tpu.bitcast %get3A_499 : vector<16xf32> -> vector<16xi32>
        %add3A_501 = arith.constant 32767 : i32
        %add3A_502 = vector.broadcast %add3A_501 : i32 to vector<16xi32>
        %add3A_503 = arith.addi %bitcast_convert_type3A_500, %add3A_502 : vector<16xi32>
        %shift_right_logical3A_504 = arith.constant 16 : i32
        %shift_right_logical3A_505 = vector.broadcast %shift_right_logical3A_504 : i32 to vector<16xi32>
        %shift_right_logical3A_506 = arith.shrui %bitcast_convert_type3A_500, %shift_right_logical3A_505 : vector<16xi32>
        %and3A_507 = arith.constant 1 : i32
        %and3A_508 = vector.broadcast %and3A_507 : i32 to vector<16xi32>
        %and3A_509 = arith.andi %shift_right_logical3A_506, %and3A_508 : vector<16xi32>
        %add3A_510 = arith.addi %add3A_503, %and3A_509 : vector<16xi32>
        %and3A_511 = arith.constant -65536 : i32
        %and3A_512 = vector.broadcast %and3A_511 : i32 to vector<16xi32>
        %and3A_513 = arith.andi %add3A_510, %and3A_512 : vector<16xi32>
        %bitcast_convert_type3A_514 = tpu.bitcast %and3A_513 : vector<16xi32> -> vector<16xf32>
        %mul3A_515 = arith.mulf %bitcast_convert_type3A_444, %bitcast_convert_type3A_514 : vector<16xf32>
        %add3A_516 = arith.addf %scan3A_423, %mul3A_515 : vector<16xf32>
        %mul3A_517 = arith.constant 16 : i32
        %mul3A_518 = arith.muli %scan3A_420, %mul3A_517 : i32
        %get3A_519 = arith.constant 3 : i32
        %get3A_520 = arith.index_cast %get3A_519 : i32 to index
        %get3A_521 = arith.index_cast %mul3A_518 : i32 to index
        %get3A_522 = tpu.vector_load %arg7[%get3A_520, %get3A_521] {strides = array<i32>} : memref<8x1024xf32, #tpu.memory_space<vmem>>, vector<1x16xf32>,
        %get3A_523 = vector.shape_cast %get3A_522 : vector<1x16xf32> to vector<16xf32>
        %bitcast_convert_type3A_524 = tpu.bitcast %get3A_523 : vector<16xf32> -> vector<16xi32>
        %add3A_525 = arith.constant 32767 : i32
        %add3A_526 = vector.broadcast %add3A_525 : i32 to vector<16xi32>
        %add3A_527 = arith.addi %bitcast_convert_type3A_524, %add3A_526 : vector<16xi32>
        %shift_right_logical3A_528 = arith.constant 16 : i32
        %shift_right_logical3A_529 = vector.broadcast %shift_right_logical3A_528 : i32 to vector<16xi32>
        %shift_right_logical3A_530 = arith.shrui %bitcast_convert_type3A_524, %shift_right_logical3A_529 : vector<16xi32>
        %and3A_531 = arith.constant 1 : i32
        %and3A_532 = vector.broadcast %and3A_531 : i32 to vector<16xi32>
        %and3A_533 = arith.andi %shift_right_logical3A_530, %and3A_532 : vector<16xi32>
        %add3A_534 = arith.addi %add3A_527, %and3A_533 : vector<16xi32>
        %and3A_535 = arith.constant -65536 : i32
        %and3A_536 = vector.broadcast %and3A_535 : i32 to vector<16xi32>
        %and3A_537 = arith.andi %add3A_534, %and3A_536 : vector<16xi32>
        %bitcast_convert_type3A_538 = tpu.bitcast %and3A_537 : vector<16xi32> -> vector<16xf32>
        %mul3A_539 = arith.mulf %bitcast_convert_type3A_444, %bitcast_convert_type3A_538 : vector<16xf32>
        %add3A_540 = arith.addf %scan3A_424, %mul3A_539 : vector<16xf32>
        %mul3A_541 = arith.constant 16 : i32
        %mul3A_542 = arith.muli %scan3A_420, %mul3A_541 : i32
        %get3A_543 = arith.constant 4 : i32
        %get3A_544 = arith.index_cast %get3A_543 : i32 to index
        %get3A_545 = arith.index_cast %mul3A_542 : i32 to index
        %get3A_546 = tpu.vector_load %arg7[%get3A_544, %get3A_545] {strides = array<i32>} : memref<8x1024xf32, #tpu.memory_space<vmem>>, vector<1x16xf32>,
        %get3A_547 = vector.shape_cast %get3A_546 : vector<1x16xf32> to vector<16xf32>
        %bitcast_convert_type3A_548 = tpu.bitcast %get3A_547 : vector<16xf32> -> vector<16xi32>
        %add3A_549 = arith.constant 32767 : i32
        %add3A_550 = vector.broadcast %add3A_549 : i32 to vector<16xi32>
        %add3A_551 = arith.addi %bitcast_convert_type3A_548, %add3A_550 : vector<16xi32>
        %shift_right_logical3A_552 = arith.constant 16 : i32
        %shift_right_logical3A_553 = vector.broadcast %shift_right_logical3A_552 : i32 to vector<16xi32>
        %shift_right_logical3A_554 = arith.shrui %bitcast_convert_type3A_548, %shift_right_logical3A_553 : vector<16xi32>
        %and3A_555 = arith.constant 1 : i32
        %and3A_556 = vector.broadcast %and3A_555 : i32 to vector<16xi32>
        %and3A_557 = arith.andi %shift_right_logical3A_554, %and3A_556 : vector<16xi32>
        %add3A_558 = arith.addi %add3A_551, %and3A_557 : vector<16xi32>
        %and3A_559 = arith.constant -65536 : i32
        %and3A_560 = vector.broadcast %and3A_559 : i32 to vector<16xi32>
        %and3A_561 = arith.andi %add3A_558, %and3A_560 : vector<16xi32>
        %bitcast_convert_type3A_562 = tpu.bitcast %and3A_561 : vector<16xi32> -> vector<16xf32>
        %mul3A_563 = arith.mulf %bitcast_convert_type3A_444, %bitcast_convert_type3A_562 : vector<16xf32>
        %add3A_564 = arith.addf %scan3A_425, %mul3A_563 : vector<16xf32>
        %mul3A_565 = arith.constant 16 : i32
        %mul3A_566 = arith.muli %scan3A_420, %mul3A_565 : i32
        %get3A_567 = arith.constant 5 : i32
        %get3A_568 = arith.index_cast %get3A_567 : i32 to index
        %get3A_569 = arith.index_cast %mul3A_566 : i32 to index
        %get3A_570 = tpu.vector_load %arg7[%get3A_568, %get3A_569] {strides = array<i32>} : memref<8x1024xf32, #tpu.memory_space<vmem>>, vector<1x16xf32>,
        %get3A_571 = vector.shape_cast %get3A_570 : vector<1x16xf32> to vector<16xf32>
        %bitcast_convert_type3A_572 = tpu.bitcast %get3A_571 : vector<16xf32> -> vector<16xi32>
        %add3A_573 = arith.constant 32767 : i32
        %add3A_574 = vector.broadcast %add3A_573 : i32 to vector<16xi32>
        %add3A_575 = arith.addi %bitcast_convert_type3A_572, %add3A_574 : vector<16xi32>
        %shift_right_logical3A_576 = arith.constant 16 : i32
        %shift_right_logical3A_577 = vector.broadcast %shift_right_logical3A_576 : i32 to vector<16xi32>
        %shift_right_logical3A_578 = arith.shrui %bitcast_convert_type3A_572, %shift_right_logical3A_577 : vector<16xi32>
        %and3A_579 = arith.constant 1 : i32
        %and3A_580 = vector.broadcast %and3A_579 : i32 to vector<16xi32>
        %and3A_581 = arith.andi %shift_right_logical3A_578, %and3A_580 : vector<16xi32>
        %add3A_582 = arith.addi %add3A_575, %and3A_581 : vector<16xi32>
        %and3A_583 = arith.constant -65536 : i32
        %and3A_584 = vector.broadcast %and3A_583 : i32 to vector<16xi32>
        %and3A_585 = arith.andi %add3A_582, %and3A_584 : vector<16xi32>
        %bitcast_convert_type3A_586 = tpu.bitcast %and3A_585 : vector<16xi32> -> vector<16xf32>
        %mul3A_587 = arith.mulf %bitcast_convert_type3A_444, %bitcast_convert_type3A_586 : vector<16xf32>
        %add3A_588 = arith.addf %scan3A_426, %mul3A_587 : vector<16xf32>
        %mul3A_589 = arith.constant 16 : i32
        %mul3A_590 = arith.muli %scan3A_420, %mul3A_589 : i32
        %get3A_591 = arith.constant 6 : i32
        %get3A_592 = arith.index_cast %get3A_591 : i32 to index
        %get3A_593 = arith.index_cast %mul3A_590 : i32 to index
        %get3A_594 = tpu.vector_load %arg7[%get3A_592, %get3A_593] {strides = array<i32>} : memref<8x1024xf32, #tpu.memory_space<vmem>>, vector<1x16xf32>,
        %get3A_595 = vector.shape_cast %get3A_594 : vector<1x16xf32> to vector<16xf32>
        %bitcast_convert_type3A_596 = tpu.bitcast %get3A_595 : vector<16xf32> -> vector<16xi32>
        %add3A_597 = arith.constant 32767 : i32
        %add3A_598 = vector.broadcast %add3A_597 : i32 to vector<16xi32>
        %add3A_599 = arith.addi %bitcast_convert_type3A_596, %add3A_598 : vector<16xi32>
        %shift_right_logical3A_600 = arith.constant 16 : i32
        %shift_right_logical3A_601 = vector.broadcast %shift_right_logical3A_600 : i32 to vector<16xi32>
        %shift_right_logical3A_602 = arith.shrui %bitcast_convert_type3A_596, %shift_right_logical3A_601 : vector<16xi32>
        %and3A_603 = arith.constant 1 : i32
        %and3A_604 = vector.broadcast %and3A_603 : i32 to vector<16xi32>
        %and3A_605 = arith.andi %shift_right_logical3A_602, %and3A_604 : vector<16xi32>
        %add3A_606 = arith.addi %add3A_599, %and3A_605 : vector<16xi32>
        %and3A_607 = arith.constant -65536 : i32
        %and3A_608 = vector.broadcast %and3A_607 : i32 to vector<16xi32>
        %and3A_609 = arith.andi %add3A_606, %and3A_608 : vector<16xi32>
        %bitcast_convert_type3A_610 = tpu.bitcast %and3A_609 : vector<16xi32> -> vector<16xf32>
        %mul3A_611 = arith.mulf %bitcast_convert_type3A_444, %bitcast_convert_type3A_610 : vector<16xf32>
        %add3A_612 = arith.addf %scan3A_427, %mul3A_611 : vector<16xf32>
        %mul3A_613 = arith.constant 16 : i32
        %mul3A_614 = arith.muli %scan3A_420, %mul3A_613 : i32
        %get3A_615 = arith.constant 7 : i32
        %get3A_616 = arith.index_cast %get3A_615 : i32 to index
        %get3A_617 = arith.index_cast %mul3A_614 : i32 to index
        %get3A_618 = tpu.vector_load %arg7[%get3A_616, %get3A_617] {strides = array<i32>} : memref<8x1024xf32, #tpu.memory_space<vmem>>, vector<1x16xf32>,
        %get3A_619 = vector.shape_cast %get3A_618 : vector<1x16xf32> to vector<16xf32>
        %bitcast_convert_type3A_620 = tpu.bitcast %get3A_619 : vector<16xf32> -> vector<16xi32>
        %add3A_621 = arith.constant 32767 : i32
        %add3A_622 = vector.broadcast %add3A_621 : i32 to vector<16xi32>
        %add3A_623 = arith.addi %bitcast_convert_type3A_620, %add3A_622 : vector<16xi32>
        %shift_right_logical3A_624 = arith.constant 16 : i32
        %shift_right_logical3A_625 = vector.broadcast %shift_right_logical3A_624 : i32 to vector<16xi32>
        %shift_right_logical3A_626 = arith.shrui %bitcast_convert_type3A_620, %shift_right_logical3A_625 : vector<16xi32>
        %and3A_627 = arith.constant 1 : i32
        %and3A_628 = vector.broadcast %and3A_627 : i32 to vector<16xi32>
        %and3A_629 = arith.andi %shift_right_logical3A_626, %and3A_628 : vector<16xi32>
        %add3A_630 = arith.addi %add3A_623, %and3A_629 : vector<16xi32>
        %and3A_631 = arith.constant -65536 : i32
        %and3A_632 = vector.broadcast %and3A_631 : i32 to vector<16xi32>
        %and3A_633 = arith.andi %add3A_630, %and3A_632 : vector<16xi32>
        %bitcast_convert_type3A_634 = tpu.bitcast %and3A_633 : vector<16xi32> -> vector<16xf32>
        %mul3A_635 = arith.mulf %bitcast_convert_type3A_444, %bitcast_convert_type3A_634 : vector<16xf32>
        %add3A_636 = arith.addf %scan3A_428, %mul3A_635 : vector<16xf32>
        scf.yield %add3A_468, %add3A_492, %add3A_516, %add3A_540, %add3A_564, %add3A_588, %add3A_612, %add3A_636 : vector<16xf32>, vector<16xf32>, vector<16xf32>, vector<16xf32>, vector<16xf32>, vector<16xf32>, vector<16xf32>, vector<16xf32>
      }
      %scan3A_22 = arith.constant 64 : i32
      %broadcast_in_dim3A_23 = arith.constant 0xFF800000 : f32
      %broadcast_in_dim3A_24 = vector.broadcast %broadcast_in_dim3A_23 : f32 to vector<16xf32>
      %eq3A = arith.constant 0 : i32
      %eq3A_25 = vector.broadcast %eq3A : i32 to vector<16xi32>
      %eq3A_26 = arith.cmpi eq, %iota3A, %eq3A_25 : vector<16xi32>
      %xor3A = arith.constant 8 : i32
      %xor3A_27 = vector.broadcast %xor3A : i32 to vector<16xi32>
      %xor3A_28 = arith.xori %iota3A, %xor3A_27 : vector<16xi32>
      %broadcast_in_dim3A_29 = vector.shape_cast %xor3A_28 : vector<16xi32> to vector<16x1xi32>
      %gather3A = vector.shape_cast %broadcast_in_dim3A_29 : vector<16x1xi32> to vector<16xi32>
      %gather3A_30 = tpu.dynamic_gather %scan3A_21#0[%gather3A] in [0] : vector<16xf32>, vector<16xi32> -> vector<16xf32>
      %add3A_31 = arith.addf %scan3A_21#0, %gather3A_30 : vector<16xf32>
      %xor3A_32 = arith.constant 4 : i32
      %xor3A_33 = vector.broadcast %xor3A_32 : i32 to vector<16xi32>
      %xor3A_34 = arith.xori %iota3A, %xor3A_33 : vector<16xi32>
      %broadcast_in_dim3A_35 = vector.shape_cast %xor3A_34 : vector<16xi32> to vector<16x1xi32>
      %gather3A_36 = vector.shape_cast %broadcast_in_dim3A_35 : vector<16x1xi32> to vector<16xi32>
      %gather3A_37 = tpu.dynamic_gather %add3A_31[%gather3A_36] in [0] : vector<16xf32>, vector<16xi32> -> vector<16xf32>
      %add3A_38 = arith.addf %add3A_31, %gather3A_37 : vector<16xf32>
      %xor3A_39 = arith.constant 2 : i32
      %xor3A_40 = vector.broadcast %xor3A_39 : i32 to vector<16xi32>
      %xor3A_41 = arith.xori %iota3A, %xor3A_40 : vector<16xi32>
      %broadcast_in_dim3A_42 = vector.shape_cast %xor3A_41 : vector<16xi32> to vector<16x1xi32>
      %gather3A_43 = vector.shape_cast %broadcast_in_dim3A_42 : vector<16x1xi32> to vector<16xi32>
      %gather3A_44 = tpu.dynamic_gather %add3A_38[%gather3A_43] in [0] : vector<16xf32>, vector<16xi32> -> vector<16xf32>
      %add3A_45 = arith.addf %add3A_38, %gather3A_44 : vector<16xf32>
      %xor3A_46 = arith.constant 1 : i32
      %xor3A_47 = vector.broadcast %xor3A_46 : i32 to vector<16xi32>
      %xor3A_48 = arith.xori %iota3A, %xor3A_47 : vector<16xi32>
      %broadcast_in_dim3A_49 = vector.shape_cast %xor3A_48 : vector<16xi32> to vector<16x1xi32>
      %gather3A_50 = vector.shape_cast %broadcast_in_dim3A_49 : vector<16x1xi32> to vector<16xi32>
      %gather3A_51 = tpu.dynamic_gather %add3A_45[%gather3A_50] in [0] : vector<16xf32>, vector<16xi32> -> vector<16xf32>
      %add3A_52 = arith.addf %add3A_45, %gather3A_51 : vector<16xf32>
      %select_n3A = arith.select %eq3A_26, %add3A_52, %broadcast_in_dim3A_24 : vector<16xi1>, vector<16xf32>
      %eq3A_53 = arith.constant 1 : i32
      %eq3A_54 = vector.broadcast %eq3A_53 : i32 to vector<16xi32>
      %eq3A_55 = arith.cmpi eq, %iota3A, %eq3A_54 : vector<16xi32>
      %xor3A_56 = arith.constant 8 : i32
      %xor3A_57 = vector.broadcast %xor3A_56 : i32 to vector<16xi32>
      %xor3A_58 = arith.xori %iota3A, %xor3A_57 : vector<16xi32>
      %broadcast_in_dim3A_59 = vector.shape_cast %xor3A_58 : vector<16xi32> to vector<16x1xi32>
      %gather3A_60 = vector.shape_cast %broadcast_in_dim3A_59 : vector<16x1xi32> to vector<16xi32>
      %gather3A_61 = tpu.dynamic_gather %scan3A_21#1[%gather3A_60] in [0] : vector<16xf32>, vector<16xi32> -> vector<16xf32>
      %add3A_62 = arith.addf %scan3A_21#1, %gather3A_61 : vector<16xf32>
      %xor3A_63 = arith.constant 4 : i32
      %xor3A_64 = vector.broadcast %xor3A_63 : i32 to vector<16xi32>
      %xor3A_65 = arith.xori %iota3A, %xor3A_64 : vector<16xi32>
      %broadcast_in_dim3A_66 = vector.shape_cast %xor3A_65 : vector<16xi32> to vector<16x1xi32>
      %gather3A_67 = vector.shape_cast %broadcast_in_dim3A_66 : vector<16x1xi32> to vector<16xi32>
      %gather3A_68 = tpu.dynamic_gather %add3A_62[%gather3A_67] in [0] : vector<16xf32>, vector<16xi32> -> vector<16xf32>
      %add3A_69 = arith.addf %add3A_62, %gather3A_68 : vector<16xf32>
      %xor3A_70 = arith.constant 2 : i32
      %xor3A_71 = vector.broadcast %xor3A_70 : i32 to vector<16xi32>
      %xor3A_72 = arith.xori %iota3A, %xor3A_71 : vector<16xi32>
      %broadcast_in_dim3A_73 = vector.shape_cast %xor3A_72 : vector<16xi32> to vector<16x1xi32>
      %gather3A_74 = vector.shape_cast %broadcast_in_dim3A_73 : vector<16x1xi32> to vector<16xi32>
      %gather3A_75 = tpu.dynamic_gather %add3A_69[%gather3A_74] in [0] : vector<16xf32>, vector<16xi32> -> vector<16xf32>
      %add3A_76 = arith.addf %add3A_69, %gather3A_75 : vector<16xf32>
      %xor3A_77 = arith.constant 1 : i32
      %xor3A_78 = vector.broadcast %xor3A_77 : i32 to vector<16xi32>
      %xor3A_79 = arith.xori %iota3A, %xor3A_78 : vector<16xi32>
      %broadcast_in_dim3A_80 = vector.shape_cast %xor3A_79 : vector<16xi32> to vector<16x1xi32>
      %gather3A_81 = vector.shape_cast %broadcast_in_dim3A_80 : vector<16x1xi32> to vector<16xi32>
      %gather3A_82 = tpu.dynamic_gather %add3A_76[%gather3A_81] in [0] : vector<16xf32>, vector<16xi32> -> vector<16xf32>
      %add3A_83 = arith.addf %add3A_76, %gather3A_82 : vector<16xf32>
      %select_n3A_84 = arith.select %eq3A_55, %add3A_83, %select_n3A : vector<16xi1>, vector<16xf32>
      %eq3A_85 = arith.constant 2 : i32
      %eq3A_86 = vector.broadcast %eq3A_85 : i32 to vector<16xi32>
      %eq3A_87 = arith.cmpi eq, %iota3A, %eq3A_86 : vector<16xi32>
      %xor3A_88 = arith.constant 8 : i32
      %xor3A_89 = vector.broadcast %xor3A_88 : i32 to vector<16xi32>
      %xor3A_90 = arith.xori %iota3A, %xor3A_89 : vector<16xi32>
      %broadcast_in_dim3A_91 = vector.shape_cast %xor3A_90 : vector<16xi32> to vector<16x1xi32>
      %gather3A_92 = vector.shape_cast %broadcast_in_dim3A_91 : vector<16x1xi32> to vector<16xi32>
      %gather3A_93 = tpu.dynamic_gather %scan3A_21#2[%gather3A_92] in [0] : vector<16xf32>, vector<16xi32> -> vector<16xf32>
      %add3A_94 = arith.addf %scan3A_21#2, %gather3A_93 : vector<16xf32>
      %xor3A_95 = arith.constant 4 : i32
      %xor3A_96 = vector.broadcast %xor3A_95 : i32 to vector<16xi32>
      %xor3A_97 = arith.xori %iota3A, %xor3A_96 : vector<16xi32>
      %broadcast_in_dim3A_98 = vector.shape_cast %xor3A_97 : vector<16xi32> to vector<16x1xi32>
      %gather3A_99 = vector.shape_cast %broadcast_in_dim3A_98 : vector<16x1xi32> to vector<16xi32>
      %gather3A_100 = tpu.dynamic_gather %add3A_94[%gather3A_99] in [0] : vector<16xf32>, vector<16xi32> -> vector<16xf32>
      %add3A_101 = arith.addf %add3A_94, %gather3A_100 : vector<16xf32>
      %xor3A_102 = arith.constant 2 : i32
      %xor3A_103 = vector.broadcast %xor3A_102 : i32 to vector<16xi32>
      %xor3A_104 = arith.xori %iota3A, %xor3A_103 : vector<16xi32>
      %broadcast_in_dim3A_105 = vector.shape_cast %xor3A_104 : vector<16xi32> to vector<16x1xi32>
      %gather3A_106 = vector.shape_cast %broadcast_in_dim3A_105 : vector<16x1xi32> to vector<16xi32>
      %gather3A_107 = tpu.dynamic_gather %add3A_101[%gather3A_106] in [0] : vector<16xf32>, vector<16xi32> -> vector<16xf32>
      %add3A_108 = arith.addf %add3A_101, %gather3A_107 : vector<16xf32>
      %xor3A_109 = arith.constant 1 : i32
      %xor3A_110 = vector.broadcast %xor3A_109 : i32 to vector<16xi32>
      %xor3A_111 = arith.xori %iota3A, %xor3A_110 : vector<16xi32>
      %broadcast_in_dim3A_112 = vector.shape_cast %xor3A_111 : vector<16xi32> to vector<16x1xi32>
      %gather3A_113 = vector.shape_cast %broadcast_in_dim3A_112 : vector<16x1xi32> to vector<16xi32>
      %gather3A_114 = tpu.dynamic_gather %add3A_108[%gather3A_113] in [0] : vector<16xf32>, vector<16xi32> -> vector<16xf32>
      %add3A_115 = arith.addf %add3A_108, %gather3A_114 : vector<16xf32>
      %select_n3A_116 = arith.select %eq3A_87, %add3A_115, %select_n3A_84 : vector<16xi1>, vector<16xf32>
      %eq3A_117 = arith.constant 3 : i32
      %eq3A_118 = vector.broadcast %eq3A_117 : i32 to vector<16xi32>
      %eq3A_119 = arith.cmpi eq, %iota3A, %eq3A_118 : vector<16xi32>
      %xor3A_120 = arith.constant 8 : i32
      %xor3A_121 = vector.broadcast %xor3A_120 : i32 to vector<16xi32>
      %xor3A_122 = arith.xori %iota3A, %xor3A_121 : vector<16xi32>
      %broadcast_in_dim3A_123 = vector.shape_cast %xor3A_122 : vector<16xi32> to vector<16x1xi32>
      %gather3A_124 = vector.shape_cast %broadcast_in_dim3A_123 : vector<16x1xi32> to vector<16xi32>
      %gather3A_125 = tpu.dynamic_gather %scan3A_21#3[%gather3A_124] in [0] : vector<16xf32>, vector<16xi32> -> vector<16xf32>
      %add3A_126 = arith.addf %scan3A_21#3, %gather3A_125 : vector<16xf32>
      %xor3A_127 = arith.constant 4 : i32
      %xor3A_128 = vector.broadcast %xor3A_127 : i32 to vector<16xi32>
      %xor3A_129 = arith.xori %iota3A, %xor3A_128 : vector<16xi32>
      %broadcast_in_dim3A_130 = vector.shape_cast %xor3A_129 : vector<16xi32> to vector<16x1xi32>
      %gather3A_131 = vector.shape_cast %broadcast_in_dim3A_130 : vector<16x1xi32> to vector<16xi32>
      %gather3A_132 = tpu.dynamic_gather %add3A_126[%gather3A_131] in [0] : vector<16xf32>, vector<16xi32> -> vector<16xf32>
      %add3A_133 = arith.addf %add3A_126, %gather3A_132 : vector<16xf32>
      %xor3A_134 = arith.constant 2 : i32
      %xor3A_135 = vector.broadcast %xor3A_134 : i32 to vector<16xi32>
      %xor3A_136 = arith.xori %iota3A, %xor3A_135 : vector<16xi32>
      %broadcast_in_dim3A_137 = vector.shape_cast %xor3A_136 : vector<16xi32> to vector<16x1xi32>
      %gather3A_138 = vector.shape_cast %broadcast_in_dim3A_137 : vector<16x1xi32> to vector<16xi32>
      %gather3A_139 = tpu.dynamic_gather %add3A_133[%gather3A_138] in [0] : vector<16xf32>, vector<16xi32> -> vector<16xf32>
      %add3A_140 = arith.addf %add3A_133, %gather3A_139 : vector<16xf32>
      %xor3A_141 = arith.constant 1 : i32
      %xor3A_142 = vector.broadcast %xor3A_141 : i32 to vector<16xi32>
      %xor3A_143 = arith.xori %iota3A, %xor3A_142 : vector<16xi32>
      %broadcast_in_dim3A_144 = vector.shape_cast %xor3A_143 : vector<16xi32> to vector<16x1xi32>
      %gather3A_145 = vector.shape_cast %broadcast_in_dim3A_144 : vector<16x1xi32> to vector<16xi32>
      %gather3A_146 = tpu.dynamic_gather %add3A_140[%gather3A_145] in [0] : vector<16xf32>, vector<16xi32> -> vector<16xf32>
      %add3A_147 = arith.addf %add3A_140, %gather3A_146 : vector<16xf32>
      %select_n3A_148 = arith.select %eq3A_119, %add3A_147, %select_n3A_116 : vector<16xi1>, vector<16xf32>
      %eq3A_149 = arith.constant 4 : i32
      %eq3A_150 = vector.broadcast %eq3A_149 : i32 to vector<16xi32>
      %eq3A_151 = arith.cmpi eq, %iota3A, %eq3A_150 : vector<16xi32>
      %xor3A_152 = arith.constant 8 : i32
      %xor3A_153 = vector.broadcast %xor3A_152 : i32 to vector<16xi32>
      %xor3A_154 = arith.xori %iota3A, %xor3A_153 : vector<16xi32>
      %broadcast_in_dim3A_155 = vector.shape_cast %xor3A_154 : vector<16xi32> to vector<16x1xi32>
      %gather3A_156 = vector.shape_cast %broadcast_in_dim3A_155 : vector<16x1xi32> to vector<16xi32>
      %gather3A_157 = tpu.dynamic_gather %scan3A_21#4[%gather3A_156] in [0] : vector<16xf32>, vector<16xi32> -> vector<16xf32>
      %add3A_158 = arith.addf %scan3A_21#4, %gather3A_157 : vector<16xf32>
      %xor3A_159 = arith.constant 4 : i32
      %xor3A_160 = vector.broadcast %xor3A_159 : i32 to vector<16xi32>
      %xor3A_161 = arith.xori %iota3A, %xor3A_160 : vector<16xi32>
      %broadcast_in_dim3A_162 = vector.shape_cast %xor3A_161 : vector<16xi32> to vector<16x1xi32>
      %gather3A_163 = vector.shape_cast %broadcast_in_dim3A_162 : vector<16x1xi32> to vector<16xi32>
      %gather3A_164 = tpu.dynamic_gather %add3A_158[%gather3A_163] in [0] : vector<16xf32>, vector<16xi32> -> vector<16xf32>
      %add3A_165 = arith.addf %add3A_158, %gather3A_164 : vector<16xf32>
      %xor3A_166 = arith.constant 2 : i32
      %xor3A_167 = vector.broadcast %xor3A_166 : i32 to vector<16xi32>
      %xor3A_168 = arith.xori %iota3A, %xor3A_167 : vector<16xi32>
      %broadcast_in_dim3A_169 = vector.shape_cast %xor3A_168 : vector<16xi32> to vector<16x1xi32>
      %gather3A_170 = vector.shape_cast %broadcast_in_dim3A_169 : vector<16x1xi32> to vector<16xi32>
      %gather3A_171 = tpu.dynamic_gather %add3A_165[%gather3A_170] in [0] : vector<16xf32>, vector<16xi32> -> vector<16xf32>
      %add3A_172 = arith.addf %add3A_165, %gather3A_171 : vector<16xf32>
      %xor3A_173 = arith.constant 1 : i32
      %xor3A_174 = vector.broadcast %xor3A_173 : i32 to vector<16xi32>
      %xor3A_175 = arith.xori %iota3A, %xor3A_174 : vector<16xi32>
      %broadcast_in_dim3A_176 = vector.shape_cast %xor3A_175 : vector<16xi32> to vector<16x1xi32>
      %gather3A_177 = vector.shape_cast %broadcast_in_dim3A_176 : vector<16x1xi32> to vector<16xi32>
      %gather3A_178 = tpu.dynamic_gather %add3A_172[%gather3A_177] in [0] : vector<16xf32>, vector<16xi32> -> vector<16xf32>
      %add3A_179 = arith.addf %add3A_172, %gather3A_178 : vector<16xf32>
      %select_n3A_180 = arith.select %eq3A_151, %add3A_179, %select_n3A_148 : vector<16xi1>, vector<16xf32>
      %eq3A_181 = arith.constant 5 : i32
      %eq3A_182 = vector.broadcast %eq3A_181 : i32 to vector<16xi32>
      %eq3A_183 = arith.cmpi eq, %iota3A, %eq3A_182 : vector<16xi32>
      %xor3A_184 = arith.constant 8 : i32
      %xor3A_185 = vector.broadcast %xor3A_184 : i32 to vector<16xi32>
      %xor3A_186 = arith.xori %iota3A, %xor3A_185 : vector<16xi32>
      %broadcast_in_dim3A_187 = vector.shape_cast %xor3A_186 : vector<16xi32> to vector<16x1xi32>
      %gather3A_188 = vector.shape_cast %broadcast_in_dim3A_187 : vector<16x1xi32> to vector<16xi32>
      %gather3A_189 = tpu.dynamic_gather %scan3A_21#5[%gather3A_188] in [0] : vector<16xf32>, vector<16xi32> -> vector<16xf32>
      %add3A_190 = arith.addf %scan3A_21#5, %gather3A_189 : vector<16xf32>
      %xor3A_191 = arith.constant 4 : i32
      %xor3A_192 = vector.broadcast %xor3A_191 : i32 to vector<16xi32>
      %xor3A_193 = arith.xori %iota3A, %xor3A_192 : vector<16xi32>
      %broadcast_in_dim3A_194 = vector.shape_cast %xor3A_193 : vector<16xi32> to vector<16x1xi32>
      %gather3A_195 = vector.shape_cast %broadcast_in_dim3A_194 : vector<16x1xi32> to vector<16xi32>
      %gather3A_196 = tpu.dynamic_gather %add3A_190[%gather3A_195] in [0] : vector<16xf32>, vector<16xi32> -> vector<16xf32>
      %add3A_197 = arith.addf %add3A_190, %gather3A_196 : vector<16xf32>
      %xor3A_198 = arith.constant 2 : i32
      %xor3A_199 = vector.broadcast %xor3A_198 : i32 to vector<16xi32>
      %xor3A_200 = arith.xori %iota3A, %xor3A_199 : vector<16xi32>
      %broadcast_in_dim3A_201 = vector.shape_cast %xor3A_200 : vector<16xi32> to vector<16x1xi32>
      %gather3A_202 = vector.shape_cast %broadcast_in_dim3A_201 : vector<16x1xi32> to vector<16xi32>
      %gather3A_203 = tpu.dynamic_gather %add3A_197[%gather3A_202] in [0] : vector<16xf32>, vector<16xi32> -> vector<16xf32>
      %add3A_204 = arith.addf %add3A_197, %gather3A_203 : vector<16xf32>
      %xor3A_205 = arith.constant 1 : i32
      %xor3A_206 = vector.broadcast %xor3A_205 : i32 to vector<16xi32>
      %xor3A_207 = arith.xori %iota3A, %xor3A_206 : vector<16xi32>
      %broadcast_in_dim3A_208 = vector.shape_cast %xor3A_207 : vector<16xi32> to vector<16x1xi32>
      %gather3A_209 = vector.shape_cast %broadcast_in_dim3A_208 : vector<16x1xi32> to vector<16xi32>
      %gather3A_210 = tpu.dynamic_gather %add3A_204[%gather3A_209] in [0] : vector<16xf32>, vector<16xi32> -> vector<16xf32>
      %add3A_211 = arith.addf %add3A_204, %gather3A_210 : vector<16xf32>
      %select_n3A_212 = arith.select %eq3A_183, %add3A_211, %select_n3A_180 : vector<16xi1>, vector<16xf32>
      %eq3A_213 = arith.constant 6 : i32
      %eq3A_214 = vector.broadcast %eq3A_213 : i32 to vector<16xi32>
      %eq3A_215 = arith.cmpi eq, %iota3A, %eq3A_214 : vector<16xi32>
      %xor3A_216 = arith.constant 8 : i32
      %xor3A_217 = vector.broadcast %xor3A_216 : i32 to vector<16xi32>
      %xor3A_218 = arith.xori %iota3A, %xor3A_217 : vector<16xi32>
      %broadcast_in_dim3A_219 = vector.shape_cast %xor3A_218 : vector<16xi32> to vector<16x1xi32>
      %gather3A_220 = vector.shape_cast %broadcast_in_dim3A_219 : vector<16x1xi32> to vector<16xi32>
      %gather3A_221 = tpu.dynamic_gather %scan3A_21#6[%gather3A_220] in [0] : vector<16xf32>, vector<16xi32> -> vector<16xf32>
      %add3A_222 = arith.addf %scan3A_21#6, %gather3A_221 : vector<16xf32>
      %xor3A_223 = arith.constant 4 : i32
      %xor3A_224 = vector.broadcast %xor3A_223 : i32 to vector<16xi32>
      %xor3A_225 = arith.xori %iota3A, %xor3A_224 : vector<16xi32>
      %broadcast_in_dim3A_226 = vector.shape_cast %xor3A_225 : vector<16xi32> to vector<16x1xi32>
      %gather3A_227 = vector.shape_cast %broadcast_in_dim3A_226 : vector<16x1xi32> to vector<16xi32>
      %gather3A_228 = tpu.dynamic_gather %add3A_222[%gather3A_227] in [0] : vector<16xf32>, vector<16xi32> -> vector<16xf32>
      %add3A_229 = arith.addf %add3A_222, %gather3A_228 : vector<16xf32>
      %xor3A_230 = arith.constant 2 : i32
      %xor3A_231 = vector.broadcast %xor3A_230 : i32 to vector<16xi32>
      %xor3A_232 = arith.xori %iota3A, %xor3A_231 : vector<16xi32>
      %broadcast_in_dim3A_233 = vector.shape_cast %xor3A_232 : vector<16xi32> to vector<16x1xi32>
      %gather3A_234 = vector.shape_cast %broadcast_in_dim3A_233 : vector<16x1xi32> to vector<16xi32>
      %gather3A_235 = tpu.dynamic_gather %add3A_229[%gather3A_234] in [0] : vector<16xf32>, vector<16xi32> -> vector<16xf32>
      %add3A_236 = arith.addf %add3A_229, %gather3A_235 : vector<16xf32>
      %xor3A_237 = arith.constant 1 : i32
      %xor3A_238 = vector.broadcast %xor3A_237 : i32 to vector<16xi32>
      %xor3A_239 = arith.xori %iota3A, %xor3A_238 : vector<16xi32>
      %broadcast_in_dim3A_240 = vector.shape_cast %xor3A_239 : vector<16xi32> to vector<16x1xi32>
      %gather3A_241 = vector.shape_cast %broadcast_in_dim3A_240 : vector<16x1xi32> to vector<16xi32>
      %gather3A_242 = tpu.dynamic_gather %add3A_236[%gather3A_241] in [0] : vector<16xf32>, vector<16xi32> -> vector<16xf32>
      %add3A_243 = arith.addf %add3A_236, %gather3A_242 : vector<16xf32>
      %select_n3A_244 = arith.select %eq3A_215, %add3A_243, %select_n3A_212 : vector<16xi1>, vector<16xf32>
      %eq3A_245 = arith.constant 7 : i32
      %eq3A_246 = vector.broadcast %eq3A_245 : i32 to vector<16xi32>
      %eq3A_247 = arith.cmpi eq, %iota3A, %eq3A_246 : vector<16xi32>
      %xor3A_248 = arith.constant 8 : i32
      %xor3A_249 = vector.broadcast %xor3A_248 : i32 to vector<16xi32>
      %xor3A_250 = arith.xori %iota3A, %xor3A_249 : vector<16xi32>
      %broadcast_in_dim3A_251 = vector.shape_cast %xor3A_250 : vector<16xi32> to vector<16x1xi32>
      %gather3A_252 = vector.shape_cast %broadcast_in_dim3A_251 : vector<16x1xi32> to vector<16xi32>
      %gather3A_253 = tpu.dynamic_gather %scan3A_21#7[%gather3A_252] in [0] : vector<16xf32>, vector<16xi32> -> vector<16xf32>
      %add3A_254 = arith.addf %scan3A_21#7, %gather3A_253 : vector<16xf32>
      %xor3A_255 = arith.constant 4 : i32
      %xor3A_256 = vector.broadcast %xor3A_255 : i32 to vector<16xi32>
      %xor3A_257 = arith.xori %iota3A, %xor3A_256 : vector<16xi32>
      %broadcast_in_dim3A_258 = vector.shape_cast %xor3A_257 : vector<16xi32> to vector<16x1xi32>
      %gather3A_259 = vector.shape_cast %broadcast_in_dim3A_258 : vector<16x1xi32> to vector<16xi32>
      %gather3A_260 = tpu.dynamic_gather %add3A_254[%gather3A_259] in [0] : vector<16xf32>, vector<16xi32> -> vector<16xf32>
      %add3A_261 = arith.addf %add3A_254, %gather3A_260 : vector<16xf32>
      %xor3A_262 = arith.constant 2 : i32
      %xor3A_263 = vector.broadcast %xor3A_262 : i32 to vector<16xi32>
      %xor3A_264 = arith.xori %iota3A, %xor3A_263 : vector<16xi32>
      %broadcast_in_dim3A_265 = vector.shape_cast %xor3A_264 : vector<16xi32> to vector<16x1xi32>
      %gather3A_266 = vector.shape_cast %broadcast_in_dim3A_265 : vector<16x1xi32> to vector<16xi32>
      %gather3A_267 = tpu.dynamic_gather %add3A_261[%gather3A_266] in [0] : vector<16xf32>, vector<16xi32> -> vector<16xf32>
      %add3A_268 = arith.addf %add3A_261, %gather3A_267 : vector<16xf32>
      %xor3A_269 = arith.constant 1 : i32
      %xor3A_270 = vector.broadcast %xor3A_269 : i32 to vector<16xi32>
      %xor3A_271 = arith.xori %iota3A, %xor3A_270 : vector<16xi32>
      %broadcast_in_dim3A_272 = vector.shape_cast %xor3A_271 : vector<16xi32> to vector<16x1xi32>
      %gather3A_273 = vector.shape_cast %broadcast_in_dim3A_272 : vector<16x1xi32> to vector<16xi32>
      %gather3A_274 = tpu.dynamic_gather %add3A_268[%gather3A_273] in [0] : vector<16xf32>, vector<16xi32> -> vector<16xf32>
      %add3A_275 = arith.addf %add3A_268, %gather3A_274 : vector<16xf32>
      %select_n3A_276 = arith.select %eq3A_247, %add3A_275, %select_n3A_244 : vector<16xi1>, vector<16xf32>
      %xor3A_277 = arith.constant 8 : i32
      %xor3A_278 = vector.broadcast %xor3A_277 : i32 to vector<16xi32>
      %xor3A_279 = arith.xori %iota3A, %xor3A_278 : vector<16xi32>
      %broadcast_in_dim3A_280 = vector.shape_cast %xor3A_279 : vector<16xi32> to vector<16x1xi32>
      %gather3A_281 = vector.shape_cast %broadcast_in_dim3A_280 : vector<16x1xi32> to vector<16xi32>
      %gather3A_282 = tpu.dynamic_gather %select_n3A_276[%gather3A_281] in [0] : vector<16xf32>, vector<16xi32> -> vector<16xf32>
      %max3A = arith.maximumf %select_n3A_276, %gather3A_282 : vector<16xf32>
      %xor3A_283 = arith.constant 4 : i32
      %xor3A_284 = vector.broadcast %xor3A_283 : i32 to vector<16xi32>
      %xor3A_285 = arith.xori %iota3A, %xor3A_284 : vector<16xi32>
      %broadcast_in_dim3A_286 = vector.shape_cast %xor3A_285 : vector<16xi32> to vector<16x1xi32>
      %gather3A_287 = vector.shape_cast %broadcast_in_dim3A_286 : vector<16x1xi32> to vector<16xi32>
      %gather3A_288 = tpu.dynamic_gather %max3A[%gather3A_287] in [0] : vector<16xf32>, vector<16xi32> -> vector<16xf32>
      %max3A_289 = arith.maximumf %max3A, %gather3A_288 : vector<16xf32>
      %xor3A_290 = arith.constant 2 : i32
      %xor3A_291 = vector.broadcast %xor3A_290 : i32 to vector<16xi32>
      %xor3A_292 = arith.xori %iota3A, %xor3A_291 : vector<16xi32>
      %broadcast_in_dim3A_293 = vector.shape_cast %xor3A_292 : vector<16xi32> to vector<16x1xi32>
      %gather3A_294 = vector.shape_cast %broadcast_in_dim3A_293 : vector<16x1xi32> to vector<16xi32>
      %gather3A_295 = tpu.dynamic_gather %max3A_289[%gather3A_294] in [0] : vector<16xf32>, vector<16xi32> -> vector<16xf32>
      %max3A_296 = arith.maximumf %max3A_289, %gather3A_295 : vector<16xf32>
      %xor3A_297 = arith.constant 1 : i32
      %xor3A_298 = vector.broadcast %xor3A_297 : i32 to vector<16xi32>
      %xor3A_299 = arith.xori %iota3A, %xor3A_298 : vector<16xi32>
      %broadcast_in_dim3A_300 = vector.shape_cast %xor3A_299 : vector<16xi32> to vector<16x1xi32>
      %gather3A_301 = vector.shape_cast %broadcast_in_dim3A_300 : vector<16x1xi32> to vector<16xi32>
      %gather3A_302 = tpu.dynamic_gather %max3A_296[%gather3A_301] in [0] : vector<16xf32>, vector<16xi32> -> vector<16xf32>
      %max3A_303 = arith.maximumf %max3A_296, %gather3A_302 : vector<16xf32>
      %eq3A_304 = arith.cmpf oeq, %select_n3A_276, %max3A_303 : vector<16xf32>
      %jit3A = arith.constant 16 : i32
      %broadcast_in_dim3A_305 = vector.broadcast %jit3A : i32 to vector<16xi32>
      %select_n3A_306 = arith.select %eq3A_304, %iota3A, %broadcast_in_dim3A_305 : vector<16xi1>, vector<16xi32>
      %xor3A_307 = arith.constant 8 : i32
      %xor3A_308 = vector.broadcast %xor3A_307 : i32 to vector<16xi32>
      %xor3A_309 = arith.xori %iota3A, %xor3A_308 : vector<16xi32>
      %broadcast_in_dim3A_310 = vector.shape_cast %xor3A_309 : vector<16xi32> to vector<16x1xi32>
      %gather3A_311 = vector.shape_cast %broadcast_in_dim3A_310 : vector<16x1xi32> to vector<16xi32>
      %gather3A_312 = tpu.dynamic_gather %select_n3A_306[%gather3A_311] in [0] : vector<16xi32>, vector<16xi32> -> vector<16xi32>
      %min3A = arith.minsi %select_n3A_306, %gather3A_312 : vector<16xi32>
      %xor3A_313 = arith.constant 4 : i32
      %xor3A_314 = vector.broadcast %xor3A_313 : i32 to vector<16xi32>
      %xor3A_315 = arith.xori %iota3A, %xor3A_314 : vector<16xi32>
      %broadcast_in_dim3A_316 = vector.shape_cast %xor3A_315 : vector<16xi32> to vector<16x1xi32>
      %gather3A_317 = vector.shape_cast %broadcast_in_dim3A_316 : vector<16x1xi32> to vector<16xi32>
      %gather3A_318 = tpu.dynamic_gather %min3A[%gather3A_317] in [0] : vector<16xi32>, vector<16xi32> -> vector<16xi32>
      %min3A_319 = arith.minsi %min3A, %gather3A_318 : vector<16xi32>
      %xor3A_320 = arith.constant 2 : i32
      %xor3A_321 = vector.broadcast %xor3A_320 : i32 to vector<16xi32>
      %xor3A_322 = arith.xori %iota3A, %xor3A_321 : vector<16xi32>
      %broadcast_in_dim3A_323 = vector.shape_cast %xor3A_322 : vector<16xi32> to vector<16x1xi32>
      %gather3A_324 = vector.shape_cast %broadcast_in_dim3A_323 : vector<16x1xi32> to vector<16xi32>
      %gather3A_325 = tpu.dynamic_gather %min3A_319[%gather3A_324] in [0] : vector<16xi32>, vector<16xi32> -> vector<16xi32>
      %min3A_326 = arith.minsi %min3A_319, %gather3A_325 : vector<16xi32>
      %xor3A_327 = arith.constant 1 : i32
      %xor3A_328 = vector.broadcast %xor3A_327 : i32 to vector<16xi32>
      %xor3A_329 = arith.xori %iota3A, %xor3A_328 : vector<16xi32>
      %broadcast_in_dim3A_330 = vector.shape_cast %xor3A_329 : vector<16xi32> to vector<16x1xi32>
      %gather3A_331 = vector.shape_cast %broadcast_in_dim3A_330 : vector<16x1xi32> to vector<16xi32>
      %gather3A_332 = tpu.dynamic_gather %min3A_326[%gather3A_331] in [0] : vector<16xi32>, vector<16xi32> -> vector<16xi32>
      %min3A_333 = arith.minsi %min3A_326, %gather3A_332 : vector<16xi32>
      %eq3A_334 = arith.cmpi eq, %iota3A, %min3A_333 : vector<16xi32>
      %jit3A_335 = arith.constant 0xFF800000 : f32
      %broadcast_in_dim3A_336 = vector.broadcast %jit3A_335 : f32 to vector<16xf32>
      %select_n3A_337 = arith.select %eq3A_334, %broadcast_in_dim3A_336, %select_n3A_276 : vector<16xi1>, vector<16xf32>
      %xor3A_338 = arith.constant 8 : i32
      %xor3A_339 = vector.broadcast %xor3A_338 : i32 to vector<16xi32>
      %xor3A_340 = arith.xori %iota3A, %xor3A_339 : vector<16xi32>
      %broadcast_in_dim3A_341 = vector.shape_cast %xor3A_340 : vector<16xi32> to vector<16x1xi32>
      %gather3A_342 = vector.shape_cast %broadcast_in_dim3A_341 : vector<16x1xi32> to vector<16xi32>
      %gather3A_343 = tpu.dynamic_gather %select_n3A_337[%gather3A_342] in [0] : vector<16xf32>, vector<16xi32> -> vector<16xf32>
      %max3A_344 = arith.maximumf %select_n3A_337, %gather3A_343 : vector<16xf32>
      %xor3A_345 = arith.constant 4 : i32
      %xor3A_346 = vector.broadcast %xor3A_345 : i32 to vector<16xi32>
      %xor3A_347 = arith.xori %iota3A, %xor3A_346 : vector<16xi32>
      %broadcast_in_dim3A_348 = vector.shape_cast %xor3A_347 : vector<16xi32> to vector<16x1xi32>
      %gather3A_349 = vector.shape_cast %broadcast_in_dim3A_348 : vector<16x1xi32> to vector<16xi32>
      %gather3A_350 = tpu.dynamic_gather %max3A_344[%gather3A_349] in [0] : vector<16xf32>, vector<16xi32> -> vector<16xf32>
      %max3A_351 = arith.maximumf %max3A_344, %gather3A_350 : vector<16xf32>
      %xor3A_352 = arith.constant 2 : i32
      %xor3A_353 = vector.broadcast %xor3A_352 : i32 to vector<16xi32>
      %xor3A_354 = arith.xori %iota3A, %xor3A_353 : vector<16xi32>
      %broadcast_in_dim3A_355 = vector.shape_cast %xor3A_354 : vector<16xi32> to vector<16x1xi32>
      %gather3A_356 = vector.shape_cast %broadcast_in_dim3A_355 : vector<16x1xi32> to vector<16xi32>
      %gather3A_357 = tpu.dynamic_gather %max3A_351[%gather3A_356] in [0] : vector<16xf32>, vector<16xi32> -> vector<16xf32>
      %max3A_358 = arith.maximumf %max3A_351, %gather3A_357 : vector<16xf32>
      %xor3A_359 = arith.constant 1 : i32
      %xor3A_360 = vector.broadcast %xor3A_359 : i32 to vector<16xi32>
      %xor3A_361 = arith.xori %iota3A, %xor3A_360 : vector<16xi32>
      %broadcast_in_dim3A_362 = vector.shape_cast %xor3A_361 : vector<16xi32> to vector<16x1xi32>
      %gather3A_363 = vector.shape_cast %broadcast_in_dim3A_362 : vector<16x1xi32> to vector<16xi32>
      %gather3A_364 = tpu.dynamic_gather %max3A_358[%gather3A_363] in [0] : vector<16xf32>, vector<16xi32> -> vector<16xf32>
      %max3A_365 = arith.maximumf %max3A_358, %gather3A_364 : vector<16xf32>
      %eq3A_366 = arith.cmpf oeq, %select_n3A_337, %max3A_365 : vector<16xf32>
      %jit3A_367 = arith.constant 16 : i32
      %broadcast_in_dim3A_368 = vector.broadcast %jit3A_367 : i32 to vector<16xi32>
      %select_n3A_369 = arith.select %eq3A_366, %iota3A, %broadcast_in_dim3A_368 : vector<16xi1>, vector<16xi32>
      %xor3A_370 = arith.constant 8 : i32
      %xor3A_371 = vector.broadcast %xor3A_370 : i32 to vector<16xi32>
      %xor3A_372 = arith.xori %iota3A, %xor3A_371 : vector<16xi32>
      %broadcast_in_dim3A_373 = vector.shape_cast %xor3A_372 : vector<16xi32> to vector<16x1xi32>
      %gather3A_374 = vector.shape_cast %broadcast_in_dim3A_373 : vector<16x1xi32> to vector<16xi32>
      %gather3A_375 = tpu.dynamic_gather %select_n3A_369[%gather3A_374] in [0] : vector<16xi32>, vector<16xi32> -> vector<16xi32>
      %min3A_376 = arith.minsi %select_n3A_369, %gather3A_375 : vector<16xi32>
      %xor3A_377 = arith.constant 4 : i32
      %xor3A_378 = vector.broadcast %xor3A_377 : i32 to vector<16xi32>
      %xor3A_379 = arith.xori %iota3A, %xor3A_378 : vector<16xi32>
      %broadcast_in_dim3A_380 = vector.shape_cast %xor3A_379 : vector<16xi32> to vector<16x1xi32>
      %gather3A_381 = vector.shape_cast %broadcast_in_dim3A_380 : vector<16x1xi32> to vector<16xi32>
      %gather3A_382 = tpu.dynamic_gather %min3A_376[%gather3A_381] in [0] : vector<16xi32>, vector<16xi32> -> vector<16xi32>
      %min3A_383 = arith.minsi %min3A_376, %gather3A_382 : vector<16xi32>
      %xor3A_384 = arith.constant 2 : i32
      %xor3A_385 = vector.broadcast %xor3A_384 : i32 to vector<16xi32>
      %xor3A_386 = arith.xori %iota3A, %xor3A_385 : vector<16xi32>
      %broadcast_in_dim3A_387 = vector.shape_cast %xor3A_386 : vector<16xi32> to vector<16x1xi32>
      %gather3A_388 = vector.shape_cast %broadcast_in_dim3A_387 : vector<16x1xi32> to vector<16xi32>
      %gather3A_389 = tpu.dynamic_gather %min3A_383[%gather3A_388] in [0] : vector<16xi32>, vector<16xi32> -> vector<16xi32>
      %min3A_390 = arith.minsi %min3A_383, %gather3A_389 : vector<16xi32>
      %xor3A_391 = arith.constant 1 : i32
      %xor3A_392 = vector.broadcast %xor3A_391 : i32 to vector<16xi32>
      %xor3A_393 = arith.xori %iota3A, %xor3A_392 : vector<16xi32>
      %broadcast_in_dim3A_394 = vector.shape_cast %xor3A_393 : vector<16xi32> to vector<16x1xi32>
      %gather3A_395 = vector.shape_cast %broadcast_in_dim3A_394 : vector<16x1xi32> to vector<16xi32>
      %gather3A_396 = tpu.dynamic_gather %min3A_390[%gather3A_395] in [0] : vector<16xi32>, vector<16xi32> -> vector<16xi32>
      %min3A_397 = arith.minsi %min3A_390, %gather3A_396 : vector<16xi32>
      %eq3A_398 = arith.cmpi eq, %iota3A, %min3A_397 : vector<16xi32>
      %or3A = arith.ori %eq3A_334, %eq3A_398 : vector<16xi1>
      %neg3A = arith.constant 0.000000e+00 : f32
      %neg3A_399 = vector.broadcast %neg3A : f32 to vector<16xf32>
      %neg3A_400 = arith.subf %neg3A_399, %select_n3A_276 : vector<16xf32>
      %exp3A = math.exp %neg3A_400 : vector<16xf32>
      %add3A_401 = arith.constant 1.000000e+00 : f32
      %add3A_402 = vector.broadcast %add3A_401 : f32 to vector<16xf32>
      %add3A_403 = arith.addf %add3A_402, %exp3A : vector<16xf32>
      %div3A = arith.constant 1.000000e+00 : f32
      %div3A_404 = vector.broadcast %div3A : f32 to vector<16xf32>
      %div3A_405 = arith.divf %div3A_404, %add3A_403 : vector<16xf32>
      %jit3A_406 = arith.constant 0.000000e+00 : f32
      %broadcast_in_dim3A_407 = vector.broadcast %jit3A_406 : f32 to vector<16xf32>
      %select_n3A_408 = arith.select %or3A, %div3A_405, %broadcast_in_dim3A_407 : vector<16xi1>, vector<16xf32>
      %swap3A = arith.constant 0 : index
      %swap3A_409 = tpu.vector_load %arg8[%swap3A] {strides = array<i32>} : memref<16xf32, #tpu.memory_space<vmem>>, vector<16xf32>,
      %swap3A_410 = vector.shape_cast %swap3A_409 : vector<16xf32> to vector<16xf32>
      %swap3A_411 = vector.shape_cast %select_n3A_276 : vector<16xf32> to vector<16xf32>
      tpu.vector_store %arg8[%swap3A], %swap3A_411 {strides = array<i32>} : memref<16xf32, #tpu.memory_space<vmem>>, vector<16xf32>,
      %swap3A_412 = arith.constant 0 : index
      %swap3A_413 = tpu.vector_load %arg9[%swap3A_412] {strides = array<i32>} : memref<16xf32, #tpu.memory_space<vmem>>, vector<16xf32>,
      %swap3A_414 = vector.shape_cast %swap3A_413 : vector<16xf32> to vector<16xf32>
      %swap3A_415 = vector.shape_cast %select_n3A_408 : vector<16xf32> to vector<16xf32>
      tpu.vector_store %arg9[%swap3A_412], %swap3A_415 {strides = array<i32>} : memref<16xf32, #tpu.memory_space<vmem>>, vector<16xf32>,
      %mul3A_416 = arith.constant 8 : i32
      %mul3A_417 = arith.muli %add3A, %mul3A_416 : i32
      "tpu.region"() ({
        %run_scoped3A = tpu.sem_alloc : memref<!tpu.dma_semaphore, #tpu.memory_space<semaphore_mem>>
        %dma_start3A = arith.constant 0 : i32
        %dma_start3A_420 = tpu.memref_slice %arg8[%dma_start3A] : memref<16xf32, #tpu.memory_space<vmem>> -> memref<8xf32, #tpu.memory_space<vmem>>
        %dma_start3A_421 = tpu.memref_slice %arg4[%mul3A_417] : memref<128xf32, #tpu.memory_space<hbm>> -> memref<8xf32, #tpu.memory_space<hbm>>
        %dma_start3A_422 = tpu.memref_slice %arg4[%mul3A_417] : memref<128xf32, #tpu.memory_space<hbm>> -> memref<8xf32, #tpu.memory_space<hbm>>
        %dma_start3A_423 = arith.constant 0 : i32
        %dma_start3A_424 = tpu.memref_slice %arg8[%dma_start3A_423] : memref<16xf32, #tpu.memory_space<vmem>> -> memref<8xf32, #tpu.memory_space<vmem>>
        tpu.enqueue_dma source(%dma_start3A_424 : memref<8xf32, #tpu.memory_space<vmem>>) target(%dma_start3A_422 : memref<8xf32, #tpu.memory_space<hbm>>) target_semaphore(%run_scoped3A : memref<!tpu.dma_semaphore, #tpu.memory_space<semaphore_mem>>)
        %dma_wait3A = arith.constant 0 : i32
        %dma_wait3A_425 = tpu.memref_slice %arg8[%dma_wait3A] : memref<16xf32, #tpu.memory_space<vmem>> -> memref<8xf32, #tpu.memory_space<vmem>>
        %dma_wait3A_426 = tpu.memref_slice %arg4[%mul3A_417] : memref<128xf32, #tpu.memory_space<hbm>> -> memref<8xf32, #tpu.memory_space<hbm>>
        %dma_wait3A_427 = tpu.memref_slice %arg4[%mul3A_417] : memref<128xf32, #tpu.memory_space<hbm>> -> memref<8xf32, #tpu.memory_space<hbm>>
        %dma_wait3A_428 = arith.constant 0 : i32
        %dma_wait3A_429 = tpu.memref_slice %arg8[%dma_wait3A_428] : memref<16xf32, #tpu.memory_space<vmem>> -> memref<8xf32, #tpu.memory_space<vmem>>
        tpu.wait_dma2 semaphore(%run_scoped3A : memref<!tpu.dma_semaphore, #tpu.memory_space<semaphore_mem>>) src(%dma_wait3A_429 : memref<8xf32, #tpu.memory_space<vmem>>) dst(%dma_wait3A_427 : memref<8xf32, #tpu.memory_space<hbm>>)
        tpu.yield
      }) : () -> ()
      %mul3A_418 = arith.constant 8 : i32
      %mul3A_419 = arith.muli %add3A, %mul3A_418 : i32
      "tpu.region"() ({
        %run_scoped3A = tpu.sem_alloc : memref<!tpu.dma_semaphore, #tpu.memory_space<semaphore_mem>>
        %dma_start3A = arith.constant 0 : i32
        %dma_start3A_420 = tpu.memref_slice %arg9[%dma_start3A] : memref<16xf32, #tpu.memory_space<vmem>> -> memref<8xf32, #tpu.memory_space<vmem>>
        %dma_start3A_421 = tpu.memref_slice %arg5[%mul3A_419] : memref<128xf32, #tpu.memory_space<hbm>> -> memref<8xf32, #tpu.memory_space<hbm>>
        %dma_start3A_422 = tpu.memref_slice %arg5[%mul3A_419] : memref<128xf32, #tpu.memory_space<hbm>> -> memref<8xf32, #tpu.memory_space<hbm>>
        %dma_start3A_423 = arith.constant 0 : i32
        %dma_start3A_424 = tpu.memref_slice %arg9[%dma_start3A_423] : memref<16xf32, #tpu.memory_space<vmem>> -> memref<8xf32, #tpu.memory_space<vmem>>
        tpu.enqueue_dma source(%dma_start3A_424 : memref<8xf32, #tpu.memory_space<vmem>>) target(%dma_start3A_422 : memref<8xf32, #tpu.memory_space<hbm>>) target_semaphore(%run_scoped3A : memref<!tpu.dma_semaphore, #tpu.memory_space<semaphore_mem>>)
        %dma_wait3A = arith.constant 0 : i32
        %dma_wait3A_425 = tpu.memref_slice %arg9[%dma_wait3A] : memref<16xf32, #tpu.memory_space<vmem>> -> memref<8xf32, #tpu.memory_space<vmem>>
        %dma_wait3A_426 = tpu.memref_slice %arg5[%mul3A_419] : memref<128xf32, #tpu.memory_space<hbm>> -> memref<8xf32, #tpu.memory_space<hbm>>
        %dma_wait3A_427 = tpu.memref_slice %arg5[%mul3A_419] : memref<128xf32, #tpu.memory_space<hbm>> -> memref<8xf32, #tpu.memory_space<hbm>>
        %dma_wait3A_428 = arith.constant 0 : i32
        %dma_wait3A_429 = tpu.memref_slice %arg9[%dma_wait3A_428] : memref<16xf32, #tpu.memory_space<vmem>> -> memref<8xf32, #tpu.memory_space<vmem>>
        tpu.wait_dma2 semaphore(%run_scoped3A : memref<!tpu.dma_semaphore, #tpu.memory_space<semaphore_mem>>) src(%dma_wait3A_429 : memref<8xf32, #tpu.memory_space<vmem>>) dst(%dma_wait3A_427 : memref<8xf32, #tpu.memory_space<hbm>>)
        tpu.yield
      }) : () -> ()
    } else {
    }
    return
  }
}

module attributes {stable_mosaic.version = 14 : i64} {
  func.func @_ffn_kernel(%arg0: i32, %arg1: i32, %arg2: memref<16x1024xf32, #tpu.memory_space<vmem>>, %arg3: memref<16x8xf32, #tpu.memory_space<vmem>>, %arg4: memref<1x1024x1024xf32, #tpu.memory_space<vmem>>, %arg5: memref<1x1024x1024xf32, #tpu.memory_space<vmem>>, %arg6: memref<1x1024x1024xf32, #tpu.memory_space<vmem>>, %arg7: memref<16x1024xf32, #tpu.memory_space<vmem>>) attributes {dimension_semantics = [#tpu.dimension_semantics<arbitrary>, #tpu.dimension_semantics<arbitrary>], iteration_bounds = array<i64: 8, 4>, scalar_prefetch = 0 : i64, scratch_operands = 0 : i64, tpu.core_type = #tpu.core_type<tc>, window_params = [{pipeline_mode = #tpu.pipeline_mode<synchronous>, transform_indices = @transform_0, window_bounds = array<i64: 16, 1024>}, {pipeline_mode = #tpu.pipeline_mode<synchronous>, transform_indices = @transform_1, window_bounds = array<i64: 16, 8>}, {transform_indices = @transform_2, window_bounds = array<i64: 1, 1024, 1024>}, {transform_indices = @transform_3, window_bounds = array<i64: 1, 1024, 1024>}, {transform_indices = @transform_4, window_bounds = array<i64: 1, 1024, 1024>}, {pipeline_mode = #tpu.pipeline_mode<synchronous>, transform_indices = @transform_5, window_bounds = array<i64: 16, 1024>}]} {
    %eq3A = arith.constant 0 : i32
    %eq3A_0 = arith.cmpi eq, %arg0, %eq3A : i32
    %eq3A_1 = arith.constant 0 : i32
    %eq3A_2 = arith.cmpi eq, %arg1, %eq3A_1 : i32
    %and3A = arith.andi %eq3A_0, %eq3A_2 : i1
    %convert_element_type3A = arith.extui %and3A : i1 to i32
    %cond3A = arith.constant 0 : i32
    %cond3A_3 = arith.cmpi ne, %convert_element_type3A, %cond3A : i32
    scf.if %cond3A_3 {
      %broadcast_in_dim3A_46 = arith.constant 0.000000e+00 : f32
      %broadcast_in_dim3A_47 = vector.broadcast %broadcast_in_dim3A_46 : f32 to vector<16x1024xf32>
      %swap3A_48 = arith.constant 0 : index
      %swap3A_49 = arith.constant 0 : index
      %swap3A_50 = vector.load %arg7[%swap3A_48, %swap3A_49] : memref<16x1024xf32, #tpu.memory_space<vmem>>, vector<16x1024xf32>
      tpu.vector_store %arg7[%swap3A_48, %swap3A_49], %broadcast_in_dim3A_47 {strides = array<i32>} : memref<16x1024xf32, #tpu.memory_space<vmem>>, vector<16x1024xf32>,
    } else {
    }
    %iota3A = tpu.iota {dimensions = array<i32: 1>} : vector<16x8xi32>
    %eq3A_4 = vector.broadcast %arg0 : i32 to vector<16x8xi32>
    %eq3A_5 = arith.cmpi eq, %iota3A, %eq3A_4 : vector<16x8xi32>
    %get3A = arith.constant 0 : index
    %get3A_6 = arith.constant 0 : index
    %get3A_7 = vector.load %arg3[%get3A, %get3A_6] : memref<16x8xf32, #tpu.memory_space<vmem>>, vector<16x8xf32>
    %jit3A = arith.constant 0.000000e+00 : f32
    %broadcast_in_dim3A = vector.broadcast %jit3A : f32 to vector<16x8xf32>
    %select_n3A = arith.select %eq3A_5, %get3A_7, %broadcast_in_dim3A : vector<16x8xi1>, vector<16x8xf32>
    %reduce_sum3A = arith.constant dense<0.000000e+00> : vector<16xf32>
    %reduce_sum3A_8 = vector.multi_reduction <add>, %select_n3A, %reduce_sum3A [1] : vector<16x8xf32> to vector<16xf32>
    %broadcast_in_dim3A_9 = vector.shape_cast %reduce_sum3A_8 : vector<16xf32> to vector<16x1xf32>
    %get3A_10 = arith.constant 0 : index
    %get3A_11 = arith.constant 0 : index
    %get3A_12 = vector.load %arg2[%get3A_10, %get3A_11] : memref<16x1024xf32, #tpu.memory_space<vmem>>, vector<16x1024xf32>
    %mul3A = vector.broadcast %broadcast_in_dim3A_9 : vector<16x1xf32> to vector<16x1024xf32>
    %mul3A_13 = arith.mulf %get3A_12, %mul3A : vector<16x1024xf32>
    %get3A_14 = arith.constant 0 : index
    %get3A_15 = arith.constant 0 : index
    %get3A_16 = arith.constant 0 : index
    %get3A_17 = vector.load %arg4[%get3A_14, %get3A_15, %get3A_16] : memref<1x1024x1024xf32, #tpu.memory_space<vmem>>, vector<1x1024x1024xf32>
    %get3A_18 = vector.shape_cast %get3A_17 : vector<1x1024x1024xf32> to vector<1024x1024xf32>
    %dot_general3A = arith.constant dense<0.000000e+00> : vector<16x1024xf32>
    %dot_general3A_19 = tpu.matmul %mul3A_13, %get3A_18, %dot_general3A {dimension_numbers = #tpu.dot_dimension_numbers<[1], [0], [0], [1], [0, 0, 1, 1], [], []>, transpose_lhs_hint = false} : vector<16x1024xf32>, vector<1024x1024xf32>, vector<16x1024xf32> -> vector<16x1024xf32>
    %get3A_20 = arith.constant 0 : index
    %get3A_21 = arith.constant 0 : index
    %get3A_22 = arith.constant 0 : index
    %get3A_23 = vector.load %arg5[%get3A_20, %get3A_21, %get3A_22] : memref<1x1024x1024xf32, #tpu.memory_space<vmem>>, vector<1x1024x1024xf32>
    %get3A_24 = vector.shape_cast %get3A_23 : vector<1x1024x1024xf32> to vector<1024x1024xf32>
    %dot_general3A_25 = arith.constant dense<0.000000e+00> : vector<16x1024xf32>
    %dot_general3A_26 = tpu.matmul %mul3A_13, %get3A_24, %dot_general3A_25 {dimension_numbers = #tpu.dot_dimension_numbers<[1], [0], [0], [1], [0, 0, 1, 1], [], []>, transpose_lhs_hint = false} : vector<16x1024xf32>, vector<1024x1024xf32>, vector<16x1024xf32> -> vector<16x1024xf32>
    %logistic3A = arith.negf %dot_general3A_19 : vector<16x1024xf32>
    %logistic3A_27 = math.exp %logistic3A : vector<16x1024xf32>
    %logistic3A_28 = arith.constant 1.000000e+00 : f32
    %logistic3A_29 = vector.broadcast %logistic3A_28 : f32 to vector<16x1024xf32>
    %logistic3A_30 = arith.addf %logistic3A_29, %logistic3A_27 : vector<16x1024xf32>
    %logistic3A_31 = arith.divf %logistic3A_29, %logistic3A_30 : vector<16x1024xf32>
    %mul3A_32 = arith.mulf %dot_general3A_19, %logistic3A_31 : vector<16x1024xf32>
    %mul3A_33 = arith.mulf %dot_general3A_26, %mul3A_32 : vector<16x1024xf32>
    %get3A_34 = arith.constant 0 : index
    %get3A_35 = arith.constant 0 : index
    %get3A_36 = vector.load %arg7[%get3A_34, %get3A_35] : memref<16x1024xf32, #tpu.memory_space<vmem>>, vector<16x1024xf32>
    %get3A_37 = arith.constant 0 : index
    %get3A_38 = arith.constant 0 : index
    %get3A_39 = arith.constant 0 : index
    %get3A_40 = vector.load %arg6[%get3A_37, %get3A_38, %get3A_39] : memref<1x1024x1024xf32, #tpu.memory_space<vmem>>, vector<1x1024x1024xf32>
    %get3A_41 = vector.shape_cast %get3A_40 : vector<1x1024x1024xf32> to vector<1024x1024xf32>
    %dot_general3A_42 = arith.constant dense<0.000000e+00> : vector<16x1024xf32>
    %dot_general3A_43 = tpu.matmul %mul3A_33, %get3A_41, %dot_general3A_42 {dimension_numbers = #tpu.dot_dimension_numbers<[1], [0], [0], [1], [0, 0, 1, 1], [], []>, transpose_lhs_hint = false} : vector<16x1024xf32>, vector<1024x1024xf32>, vector<16x1024xf32> -> vector<16x1024xf32>
    %add3A = arith.addf %get3A_36, %dot_general3A_43 : vector<16x1024xf32>
    %swap3A = arith.constant 0 : index
    %swap3A_44 = arith.constant 0 : index
    %swap3A_45 = vector.load %arg7[%swap3A, %swap3A_44] : memref<16x1024xf32, #tpu.memory_space<vmem>>, vector<16x1024xf32>
    tpu.vector_store %arg7[%swap3A, %swap3A_44], %add3A {strides = array<i32>} : memref<16x1024xf32, #tpu.memory_space<vmem>>, vector<16x1024xf32>,
    return
  }
  func.func @transform_0(%arg0: i32, %arg1: i32) -> (i32, i32) {
    %c0_i32 = arith.constant 0 : i32
    %c0_i32_0 = arith.constant 0 : i32
    %c0_i32_1 = arith.constant 0 : i32
    return %c0_i32, %c0_i32_0 : i32, i32
  }
  func.func @transform_1(%arg0: i32, %arg1: i32) -> (i32, i32) {
    %c0_i32 = arith.constant 0 : i32
    %c0_i32_0 = arith.constant 0 : i32
    %c0_i32_1 = arith.constant 0 : i32
    return %c0_i32, %c0_i32_0 : i32, i32
  }
  func.func @transform_2(%arg0: i32, %arg1: i32) -> (i32, i32, i32) {
    %c0_i32 = arith.constant 0 : i32
    %c0_i32_0 = arith.constant 0 : i32
    return %arg0, %c0_i32, %arg1 : i32, i32, i32
  }
  func.func @transform_3(%arg0: i32, %arg1: i32) -> (i32, i32, i32) {
    %add3A = arith.constant 4 : i32
    %add3A_0 = arith.addi %arg1, %add3A : i32
    %c0_i32 = arith.constant 0 : i32
    %c0_i32_1 = arith.constant 0 : i32
    return %arg0, %c0_i32, %add3A_0 : i32, i32, i32
  }
  func.func @transform_4(%arg0: i32, %arg1: i32) -> (i32, i32, i32) {
    %c0_i32 = arith.constant 0 : i32
    %c0_i32_0 = arith.constant 0 : i32
    return %arg0, %arg1, %c0_i32 : i32, i32, i32
  }
  func.func @transform_5(%arg0: i32, %arg1: i32) -> (i32, i32) {
    %c0_i32 = arith.constant 0 : i32
    %c0_i32_0 = arith.constant 0 : i32
    %c0_i32_1 = arith.constant 0 : i32
    return %c0_i32, %c0_i32_0 : i32, i32
  }
}

</mosaic_0001>

<sc_bundles>
// kernel: kernel.4.cloned.1.call-start
scs
__scs_entry_jumppad:
0x0: {  	(pc) =	sbr.rel $0x88, $3  }
0x1: {  	(tag) =	ssettag $0x0;
	lr =	simm.s32 $0x1  }
0x2: {  	[smem:$0x3F9D] =	sst lr;
	_ =	strace $0xD0000000  }
0x3: {  	_ = 	snop  }
0x4: {  	_ = 	snop  }
0x5: {  	_ = 	snop  }
0x6: {  	_ = 	snop  }
0x7: {  	_ = 	snop  }
__scs_overlays_trampoline_lowered:
0x8: {  	[smem:$0x3FAC] =	sst s0  }
0x9: {  	[smem:$0x3FAD] =	sst s1  }
0xa: {  	[smem:$0x3FAE] =	sst s2  }
0xb: {  	[smem:$0x3FAF] =	sst s3  }
0xc: {  	[smem:$0x3FB0] =	sst s4  }
0xd: {  	[smem:$0x3FB1] =	sst s5  }
0xe: {  	[smem:$0x3FB2] =	sst s6  }
0xf: {  	[smem:$0x3FB3] =	sst s7  }
0x10: {  	[smem:$0x3FB4] =	sst s8  }
0x11: {  	[smem:$0x3FB5] =	sst s9;
	s0 =	simm.s32 @!p0 $0x0  }
0x12: {  	s1 =	sld [smem:$0x3F9B];
	s0 =	simm.s32 @p0 $0x1  }
0x13: {  	[smem:$0x3FB6] =	sst s0;
	s0 =	simm.s32 @!p1 $0x0  }
0x14: {  	s2 =	sld [smem:$0x3F9A];
	s0 =	simm.s32 @p1 $0x1  }
0x15: {  	[smem:$0x3FB7] =	sst s0;
	s0 =	simm.s32 @!p2 $0x0  }
0x16: {  	s3 =	sld [smem:$0x3FDB];
	s0 =	simm.s32 @p2 $0x1  }
0x17: {  	s4 =	simm.s32 $0x1BF5;
	[smem:$0x3FB9] =	sst s0  }
0x18: {  	s0 =	sld [smem:$0x3F9C];
	_ =	swait.ge [sflag:s4], $0x0  }
0x19: {  	s7 =	sld [smem:$0x3F9D]  }
0x1a: {  	s8 =	sadd.s32 $0xFFFFE003, lr  }
0x1b: {  	s9 =	sadd.s32 $0xFFFFFEF7, lr;
	s5 =	simm.s32 $0xFFFFFFFF;
	p2 =	slt.u32 s8, $0xFFFFF086  }
0x1c: {  	p1 =	slt.u32 s9, $0xF7A;
	s5 =	simm.s32 @!p2 $0x0  }
0x1d: {  	s5 =	simm.s32 @p1 $0x1;
	p0 =	seq.s32 s7, s2  }
0x1e: {  	s7 =	smul.u32 @!p0 $0xF7A, s2;
	p2 =	seq.s32 @!p0 s5, $0x0  }
0x1f: {  	s9 =	smul.u32 $0xF7A, s1;
	s8 =	simm.s32 @!p0 $0x1BF5;
	p2 =	por !p2, p0  }
0x20: {  	[sflag:s8] =	ssyncset.s32 @!p0 $0xFFFFF086;
	s6 =	sadd.s32 @!p0 s3, s7;
	s7 =	simm.s32 @!p0 $0x108  }
0x21: {  	s3 =	sadd.s32 s3, s9;
	s6 =	sadd.s32 @!p0 $0x88, s6;
	s7 =	simm.s32 @p2 $0x1082  }
0x22: {  	[simem:s7], [sflag:s8] =	dma.local @!p0 [hbm:s6], $0xF7A  }
0x23: {  	s9 =	sor.u32 $0xD0000000, s2;
	s6 =	simm.s32 $0x108;
	_ =	swait.ge @!p0 [sflag:s8], $0x0  }
0x24: {  	s3 =	sadd.s32 $0x88, s3;
	s6 =	simm.s32 @!p1 $0x1082;
	[sflag:s4] =	ssyncset.s32 $0xFFFFF086  }
0x25: {  	[simem:s6], [sflag:s4] =	dma.local [hbm:s3], $0xF7A  }
0x26: {  	[smem:$0x3F9D] =	sst s1;
	(tag) =	ssettag s2;
	_ =	strace s9  }
0x27: {  	s1 =	sld [smem:$0x3FAD]  }
0x28: {  	s2 =	sld [smem:$0x3FAE]  }
0x29: {  	s4 =	sld [smem:$0x3FB0]  }
0x2a: {  	p0 =	seq.s32 s5, $0x0;
	s5 =	sld [smem:$0x3FB1]  }
0x2b: {  	s6 =	sld [smem:$0x3FB2]  }
0x2c: {  	s7 =	sld [smem:$0x3FB3]  }
0x2d: {  	s3 =	simm.s32 $0x108;
	s8 =	sld [smem:$0x3FB4]  }
0x2e: {  	s3 =	simm.s32 @!p0 $0x1082;
	s9 =	sld [smem:$0x3FB5]  }
0x2f: {  	lr =	sadd.s32 s0, s3;
	s0 =	sld [smem:$0x3FAC]  }
0x30: {  	s3 =	sld [smem:$0x3FAF]  }
0x31: {  	[smem:$0x3FB8] =	sst s10  }
0x32: {  	s10 =	sld [smem:$0x3FB6];
	_ =	sdelay $0x3  }
0x33: {  	p0 =	seq.s32 s10, $0x1;
	s10 =	sld [smem:$0x3FB8];
	_ =	sdelay $0x3  }
0x34: {  	[smem:$0x3FB8] =	sst s10  }
0x35: {  	s10 =	sld [smem:$0x3FB7];
	_ =	sdelay $0x3  }
0x36: {  	p1 =	seq.s32 s10, $0x1;
	s10 =	sld [smem:$0x3FB8];
	_ =	sdelay $0x3  }
0x37: {  	[smem:$0x3FB8] =	sst s10  }
0x38: {  	s10 =	sld [smem:$0x3FB9]  }
0x39: {  	_ = 	snop;
	(pc) =	sbr.ind lr, $3  }
0x3a: {  	_ = 	snop  }
0x3b: {  	_ = 	snop  }
0x3c: {  	p2 =	seq.s32 s10, $0x1;
	s10 =	sld [smem:$0x3FB8]  }
0x3d: {  	_ =	shalt  }
0x3e: {  	_ =	shalt  }
0x3f: {  	_ =	shalt  }
0x40: {  	_ =	shalt  }
0x41: {  	_ =	shalt  }
0x42: {  	_ =	shalt  }
0x43: {  	_ =	shalt  }
0x44: {  	_ =	shalt  }
0x45: {  	_ =	shalt  }
0x46: {  	_ =	shalt  }
0x47: {  	_ =	shalt  }
0x48: {  	_ =	shalt  }
0x49: {  	_ =	shalt  }
0x4a: {  	_ =	shalt  }
0x4b: {  	_ =	shalt  }
0x4c: {  	_ =	shalt  }
0x4d: {  	_ =	shalt  }
0x4e: {  	_ =	shalt  }
0x4f: {  	_ =	shalt  }
0x50: {  	_ =	shalt  }
0x51: {  	_ =	shalt  }
0x52: {  	_ =	shalt  }
0x53: {  	_ =	shalt  }
0x54: {  	_ =	shalt  }
0x55: {  	_ =	shalt  }
0x56: {  	_ =	shalt  }
0x57: {  	_ =	shalt  }
0x58: {  	_ =	shalt  }
0x59: {  	_ =	shalt  }
0x5a: {  	_ =	shalt  }
0x5b: {  	_ =	shalt  }
0x5c: {  	_ =	shalt  }
0x5d: {  	_ =	shalt  }
0x5e: {  	_ =	shalt  }
0x5f: {  	_ =	shalt  }
0x60: {  	_ =	shalt  }
0x61: {  	_ =	shalt  }
0x62: {  	_ =	shalt  }
0x63: {  	_ =	shalt  }
0x64: {  	_ =	shalt  }
0x65: {  	_ =	shalt  }
0x66: {  	_ =	shalt  }
0x67: {  	_ =	shalt  }
0x68: {  	_ =	shalt  }
0x69: {  	_ =	shalt  }
0x6a: {  	_ =	shalt  }
0x6b: {  	_ =	shalt  }
0x6c: {  	_ =	shalt  }
0x6d: {  	_ =	shalt  }
0x6e: {  	_ =	shalt  }
0x6f: {  	_ =	shalt  }
0x70: {  	_ =	shalt  }
0x71: {  	_ =	shalt  }
0x72: {  	_ =	shalt  }
0x73: {  	_ =	shalt  }
0x74: {  	_ =	shalt  }
0x75: {  	_ =	shalt  }
0x76: {  	_ =	shalt  }
0x77: {  	_ =	shalt  }
0x78: {  	_ =	shalt  }
0x79: {  	_ =	shalt  }
0x7a: {  	_ =	shalt  }
0x7b: {  	_ =	shalt  }
0x7c: {  	_ =	shalt  }
0x7d: {  	_ =	shalt  }
0x7e: {  	_ =	shalt  }
0x7f: {  	_ =	shalt  }
0x80: {  	_ =	shalt  }
0x81: {  	_ =	shalt  }
0x82: {  	_ =	shalt  }
0x83: {  	_ =	shalt  }
0x84: {  	_ =	shalt  }
0x85: {  	_ =	shalt  }
0x86: {  	_ =	shalt  }
0x87: {  	_ =	shalt  }
.Lfunc_end0:
.L_simem_size_0:
called_computation_lowered:
.L_overlay_start_0:
0x88: {  	s2 =	sld [smem:$0x3FD9]  }
0x89: {  	s3 =	sld [smem:$0x3FFE];
	_ =	sdelay $0x1  }
0x8a: {  	s1 =	srdreg.scid  }
0x8b: {  	s0 =	sand.u32 $0x1, s1  }
0x8c: {  	s15 =	sshll.u32 s0, $0xA;
	s2 =	sadd.s32 s3, s2  }
0x8d: {  	s2 =	sadd.s32 s2, s15  }
0x8e: {  	[smem:$0x3FC4] =	sst s2  }
0x8f: {  	_ = 	snop  }
0x90: {  	s2 =	sld [smem:$0x3FD0];
	_ =	sdelay $0x1  }
0x91: {  	s16 =	sld [smem:$0x3FC9]  }
0x92: {  	s5 =	simm.s32 $0xA;
	s6 =	simm.s32 $0x10;
	s4 =	sld [smem:$0x3FC8]  }
0x93: {  	[smem:s6], [sflag:s5] =	dma.local [hbm:s2], $0x1  }
0x94: {  	_ =	swait.eq [sflag:s5], $0x1  }
0x95: {  	[sflag:s5] =	ssyncset.done $0x0  }
0x96: {  	s17 =	sld [smem:$0x10];
	[sflag:s5] =	ssyncadd.s32 $0xFFFFFFFF  }
0x97: {  	s18 =	sld [smem:$0x11];
	(tm) =	ssettm $0x1  }
0x98: {  	s19 =	sld [smem:$0x3FFB];
	_ =	sdelay $0x3  }
0x99: {  	_ =	strace s19  }
0x9a: {  	s6 =	sld [smem:$0x3FFC];
	_ =	sdelay $0x3  }
0x9b: {  	_ =	strace s6  }
0x9c: {  	s6 =	sld [smem:$0x3FFD];
	_ =	sdelay $0x3  }
0x9d: {  	_ =	strace s6  }
0x9e: {  	_ =	strace $0x8FFFFFFF  }
0x9f: {  	s20 =	sld [smem:$0x3FDB];
	_ =	sdelay $0x1  }
0xa0: {  	s7 =	simm.s32 $_scs_section_size  }
0xa1: {  	s8 =	simm.s32 $_size__tile_overlayer_lowered;
	s9 =	simm.s32 $_tile_overlayer_lowered  }
0xa2: {  	s23 =	simm.s32 $0x1BFF;
	s22 =	sshll.u32 s9, $0x1;
	s6 =	sadd.s32 s7, s20  }
0xa3: {  	s10 =	simm.s32 $0x0;
	s21 =	sshll.u32 s8, $0x1;
	s8 =	sadd.s32 s22, s6  }
0xa4: {  	[timem:s10], [sflag:s23] =	dma.local [hbm:s8], s21  }
0xa5: {  	_ =	swait.ge [sflag:s23], s21  }
0xa6: {  	s7 =	ssub.s32 $0x0, s21;
	[sflag:s23] =	ssyncset.done $0x0  }
0xa7: {  	[sflag:s23] =	ssyncadd.s32 s7;
	_ =	sdelay $0x1  }
0xa8: {  	s24 =	simm.s32 $0x1B8B  }
0xa9: {  	_ =	swait.ge [sflag:s24], $0x1  }
0xaa: {  	[sflag:s24] =	ssyncset.done $0x0  }
0xab: {  	s25 =	simm.s32 $0x1B8E;
	[sflag:s24] =	ssyncadd.s32 $0xFFFFFFFF  }
0xac: {  	s26 =	simm.s32 $execute0_lowered;
	[smem:$0x3FD2] =	sst s25  }
0xad: {  	s7 =	sshll.u32 s26, $0x1;
	_ =	strace $0x80000046;
	[dreg:$0x1] =	wrdreg $0xFFFFFFFF  }
0xae: {  	s28 =	simm.s32 $_size_execute0_lowered;
	s6 =	sadd.s32 s6, s7;
	[dreg:$0x0] =	wrdreg $0x0  }
0xaf: {  	s7 =	sshll.u32 s28, $0x1;
	[dreg:$0x2] =	wrdreg s6  }
0xb0: {  	[dreg:$0x3] =	wrdreg s7  }
0xb1: {  	[dreg:$0x4] =	wrdreg $0xC0  }
0xb2: {  	_ =	task [dreg:s10], $0x5FFFF  }
0xb3: {  	[dreg:$0x1] =	wrdreg $0xFFFFFFFF  }
0xb4: {  	[dreg:$0x0] =	wrdreg $0x60  }
0xb5: {  	[dreg:$0x2] =	wrdreg s16  }
0xb6: {  	[dreg:$0x3] =	wrdreg s4  }
0xb7: {  	[dreg:$0x4] =	wrdreg s18  }
0xb8: {  	[dreg:$0x5] =	wrdreg s17  }
0xb9: {  	[dreg:$0x6] =	wrdreg $0x9  }
0xba: {  	_ =	task.clear_ibuf [dreg:s10], $0x7FFFF;
	_ =	strace $0x90000046  }
0xbb: {  	s29 =	simm.s32 $0x9;
	_ =	strace $0x80000048  }
0xbc: {  	_ =	swait.ge [sflag:s29], $0x1  }
0xbd: {  	[sflag:s29] =	ssyncadd.s32 $0xFFFFFFFF  }
0xbe: {  	_ =	strace $0x90000048  }
0xbf: {  	_ =	sfence  }
0xc0: {  	s30 =	sld [smem:$0x0];
	_ =	sdelay $0x2  }
0xc1: {  	s31 =	sshll.u32 s1, $0xD;
	s1 =	sshrl.u32 s1, $0x2  }
0xc2: {  	s3 =	sand.u32 $0x4000, s31;
	s1 =	sadd.s32 s1, s30  }
0xc3: {  	s0 =	sor.u32 s3, s0;
	s1 =	sshll.u32 s1, $0x11  }
0xc4: {  	s0 =	sor.u32 s1, s0  }
0xc5: {  	s0 =	sadd.s32 $0x8F2B, s0  }
0xc6: {  	[sflag:s0] =	ssyncadd.remote.s32 $0x1  }
0xc7: {  	_ =	sfence.sel $0xFFFF  }
0xc8: {  	[dreg:$0x0] =	wrdreg $0xFFFFFFFF;
	(pc) =	sbr.abs _section_cstart, $3  }
0xc9: {  	[dreg:$0x1] =	wrdreg $0xFFFFFFFF  }
0xca: {  	_ =	task.clear_ibuf [dreg:s10], $0x2FFFF;
	_ =	strace $0x9FFFFFFF  }
0xcb: {  	(tm) =	ssettm $0x7FFFFFFF  }
tec
execute0_lowered:
.L_overlay_start_1:
0x0: {  	(tag) =	ssettag $0x1  }
0x1: {  	s2 =	stileid.u32  }
0x2: {  	s6 =	rddreg [dreg:$0x0];
	p0 =	sgt.u32 s2, $0x7  }
.Ltmp0:
0x3: {  	s1 =	rddreg [dreg:$0x1];
	(pc) =	sbr.rel @p0 .LBB2_5-.Ltmp0, $4  }
0x4: {  	s4 =	rddreg [dreg:$0x2]  }
0x5: {  	s5 =	rddreg [dreg:$0x3];
	s3 =	simm.s32 $0x0  }
0x6: {  	[smem:$0x7FF] =	sst s3  }
0x7: {  	s0 =	rddreg [dreg:$0x4];
	_ =	strace $0x80000047  }
0x8: {  	v0 =	vimm.s32 $0xFEDCBA98;
	v1 =	vimm.s32 $0x76543210  }
0x9: {  	v2 =	vimm.s32 $0xBA98FEDC;
	v3 =	vimm.s32 $0x32107654;
	v4 =	vimm.s32 $0xDCFE98BA  }
0xa: {  	v5 =	vimm.s32 $0x54761032;
	v6 =	vimm.s32 $0xEFCDAB89;
	v7 =	vimm.s32 $0x67452301  }
0xb: {  	vm0 =	vmmov $0x1;
	vm1 =	vcmask $0x320;
	vm2 =	vcmask $0x720  }
0xc: {  	vm3 =	vcmask $0xB20;
	vm4 =	vcmask $0xF20;
	vm5 =	vcmask $0x1320  }
0xd: {  	v0 =	vunpack.c.l.s4.s8 v0;
	v1 =	vunpack.c.l.s4.s8 v1;
	v2 =	vunpack.c.l.s4.s8 v2  }
0xe: {  	v3 =	vunpack.c.l.s4.s8 v3;
	v4 =	vunpack.c.l.s4.s8 v4;
	v5 =	vunpack.c.l.s4.s8 v5  }
0xf: {  	s7 =	srdreg.scid;
	s11 =	sshll.u32 s2, $0x4;
	v6 =	vunpack.c.l.s4.s8 v6;
	v7 =	vunpack.c.l.s4.s8 v7;
	v0 =	vunpack.c.0.s8.s32 v0  }
0x10: {  	s12 =	simm.s32 $0x2480;
	s13 =	simm.s32 $0x0;
	s7 =	sand.u32 $0x1, s7;
	v2 =	vunpack.c.0.s8.s32 v2;
	v3 =	vunpack.c.0.s8.s32 v3;
	v4 =	vunpack.c.0.s8.s32 v4  }
0x11: {  	s6 =	sadd.s32 s6, s11;
	s11 =	simm.s32 $0x2400;
	s8 =	sshll.u32 s7, $0x3;
	v5 =	vunpack.c.0.s8.s32 v5;
	v6 =	vunpack.c.0.s8.s32 v6;
	v7 =	vunpack.c.0.s8.s32 v7  }
0x12: {  	vm6 =	vcmask $0x1720;
	s9 =	ssub.s32 $0x2, s7;
	s7 =	sshll.u32 s7, $0xA;
	v1 =	vunpack.c.0.s8.s32 v1;
	s8 =	sadd.s32 s2, s8;
	v2 =	vcombine.low v3, v2  }
0x13: {  	s10 =	sshrl.u32 s9, $0x1;
	s6 =	sadd.s32 s7, s6;
	s4 =	sadd.s32 s4, s8;
	v3 =	vcombine.low v5, v4;
	v4 =	vcombine.low v7, v6;
	v0 =	vand.u32 $0xF, v0  }
0x14: {  	vm7 =	vcmask $0x1B20;
	s9 =	ssub.s32 s9, s10;
	s5 =	sadd.s32 s5, s8;
	s8 =	simm.s32 $0x80;
	v0 =	vcombine.low v0, v1;
	v1 =	vand.u32 $0xF, v2  }
0x15: {  	s10 =	simm.s32 $0x1;
	s7 =	smax.u32 s9, $0x1;
	s9 =	simm.s32 $0x400;
	v2 =	vand.u32 $0xF, v3;
	v3 =	vand.u32 $0xF, v4;
	v4 =	vlaneseq.u32  }
.LBB2_2:
0x16: {  	s14 =	simm.s32 $0x0  }
0x17: {  	[tilespmem:s14], [sflag:$0x1] =	stream.strided.gather [hbm4b:s6+s8], $0x400, s9, s8, $0x38;
	[tilespmem:$0x2500] =	vst v63  }
0x18: {  	_ =	swait.ge [sflag:s10], $0x400  }
0x19: {  	[sflag:s10] =	ssyncset.done $0x0  }
0x1a: {  	[sflag:s10] =	ssyncadd.s32 $0xFFFFFC00  }
0x1b: {  	[tilespmem:s9], [sflag:$0x1] =	stream.linear.gather [hbm4b:s1+s14], $0x2000, $0x38;
	[tilespmem:$0x2500] =	vst v63  }
0x1c: {  	_ =	swait.ge [sflag:s10], $0x2000  }
0x1d: {  	[sflag:s10] =	ssyncset.done $0x0  }
0x1e: {  	s15 =	sor.u32 s14, s14;
	[sflag:s10] =	ssyncadd.s32 $0xFFFFE000  }
0x1f: {  	s16 =	sand.u32 $0x70, s14;
	s15 =	sor.u32 $0x380, s15;
	v6 =	vld [tilespmem:s14+$0x0];
	s14 =	sand.u32 $0x1C00, s14  }
0x20: {  	v7 =	vld [tilespmem:s15+$0x400];
	s14 =	sor.u32 s16, s14  }
0x21: {  	v8 =	vld [tilespmem:s14+$0x400]  }
0x22: {  	v9 =	vld [tilespmem:s14+$0x480]  }
0x23: {  	v10 =	vld [tilespmem:s14+$0x500]  }
0x24: {  	v11 =	vld [tilespmem:s14+$0x580]  }
0x25: {  	v13 =	vld [tilespmem:s14+$0x600]  }
0x26: {  	s26 =	simm.s32 $0x10;
	s28 =	simm.s32 $0x80;
	v16 =	vld [tilespmem:s14+$0x680]  }
0x27: {  	s17 =	sand.u32 $0x70, s26;
	s30 =	sand.u32 $0x1C00, s28;
	v17 =	vld [tilespmem:s14+$0x700]  }
0x28: {  	v5 =	vimm.f32 $0.0e+00;
	s14 =	sor.u32 s17, s30;
	v12 =	vshrl.u32 v6, $0x10;
	v14 =	vshrl.u32 v7, $0x10  }
0x29: {  	v24 =	vld [tilespmem:s14+$0x680];
	v12 =	vand.u32 $0x1, v12;
	v14 =	vand.u32 $0x1, v14;
	v15 =	vshrl.u32 v8, $0x10  }
0x2a: {  	v26 =	vld [tilespmem:s14+$0x700];
	v6 =	vadd.s32 v12, v6;
	v12 =	vshrl.u32 v9, $0x10;
	v7 =	vadd.s32 v14, v7  }
0x2b: {  	v14 =	vshrl.u32 v10, $0x10;
	v18 =	vshrl.u32 v11, $0x10;
	v19 =	vshrl.u32 v13, $0x10  }
0x2c: {  	v20 =	vshrl.u32 v16, $0x10;
	v21 =	vshrl.u32 v17, $0x10;
	v6 =	vadd.s32 $0x7FFF, v6  }
0x2d: {  	v7 =	vadd.s32 $0x7FFF, v7;
	v15 =	vand.u32 $0x1, v15;
	v12 =	vand.u32 $0x1, v12  }
0x2e: {  	v14 =	vand.u32 $0x1, v14;
	v18 =	vand.u32 $0x1, v18;
	v28 =	vshrl.u32 v24, $0x10  }
0x2f: {  	v30 =	vshrl.u32 v26, $0x10;
	v6 =	vand.u32 $0xFFFF0000, v6;
	v7 =	vand.u32 $0xFFFF0000, v7  }
0x30: {  	v8 =	vadd.s32 v15, v8;
	v9 =	vadd.s32 v12, v9;
	v10 =	vadd.s32 v14, v10  }
0x31: {  	v11 =	vadd.s32 v18, v11;
	v63 =	vand.u32 $0x1, v30;
	v7 =	vmul.f32 v7, v6  }
0x32: {  	v8 =	vadd.s32 $0x7FFF, v8;
	v9 =	vadd.s32 $0x7FFF, v9;
	v10 =	vadd.s32 $0x7FFF, v10  }
0x33: {  	v18 =	vld [tilespmem:s14+$0x480];
	v11 =	vadd.s32 $0x7FFF, v11;
	v8 =	vand.u32 $0xFFFF0000, v8;
	v9 =	vand.u32 $0xFFFF0000, v9  }
0x34: {  	v10 =	vand.u32 $0xFFFF0000, v10;
	v11 =	vand.u32 $0xFFFF0000, v11;
	v22 =	vadd.f32 v7, v5  }
0x35: {  	v7 =	vand.u32 $0x1, v19;
	v19 =	vand.u32 $0x1, v20;
	v20 =	vand.u32 $0x1, v21  }
0x36: {  	v7 =	vadd.s32 v7, v13;
	v12 =	vadd.s32 v19, v16;
	v13 =	vadd.s32 v20, v17  }
0x37: {  	s29 =	sor.u32 s28, s26;
	v14 =	vld [tilespmem:s26+$0x0];
	v7 =	vadd.s32 $0x7FFF, v7;
	v12 =	vadd.s32 $0x7FFF, v12;
	v13 =	vadd.s32 $0x7FFF, v13  }
0x38: {  	s31 =	sor.u32 $0x380, s29;
	v25 =	vshrl.u32 v18, $0x10;
	v15 =	vand.u32 $0xFFFF0000, v7;
	v7 =	vmul.f32 v8, v6  }
0x39: {  	v16 =	vld [tilespmem:s31+$0x400];
	v12 =	vand.u32 $0xFFFF0000, v12;
	v8 =	vmul.f32 v9, v6;
	v9 =	vmul.f32 v10, v6  }
0x3a: {  	v17 =	vld [tilespmem:s14+$0x400];
	v13 =	vand.u32 $0xFFFF0000, v13;
	v10 =	vmul.f32 v11, v6;
	v11 =	vmul.f32 v15, v6  }
0x3b: {  	v20 =	vld [tilespmem:s14+$0x600];
	v25 =	vand.u32 $0x1, v25;
	v12 =	vmul.f32 v12, v6;
	v13 =	vmul.f32 v13, v6  }
0x3c: {  	v6 =	vshrl.u32 v14, $0x10;
	v7 =	vadd.f32 v7, v5;
	v8 =	vadd.f32 v8, v5  }
0x3d: {  	v15 =	vld [tilespmem:s14+$0x500];
	v18 =	vadd.s32 v25, v18;
	v9 =	vadd.f32 v9, v5;
	v10 =	vadd.f32 v10, v5  }
0x3e: {  	v19 =	vld [tilespmem:s14+$0x580];
	v6 =	vand.u32 $0x1, v6;
	v18 =	vadd.s32 $0x7FFF, v18;
	v11 =	vadd.f32 v11, v5  }
0x3f: {  	v21 =	vshrl.u32 v16, $0x10;
	v12 =	vadd.f32 v12, v5;
	v23 =	vshrl.u32 v17, $0x10  }
0x40: {  	v6 =	vadd.s32 v6, v14;
	v27 =	vshrl.u32 v20, $0x10;
	v21 =	vand.u32 $0x1, v21  }
0x41: {  	v6 =	vadd.s32 $0x7FFF, v6;
	v23 =	vand.u32 $0x1, v23;
	v14 =	vadd.s32 v21, v16  }
0x42: {  	v17 =	vadd.s32 v23, v17;
	v16 =	vshrl.u32 v15, $0x10;
	v21 =	vadd.s32 $0x7FFF, v14  }
0x43: {  	v14 =	vand.u32 $0xFFFF0000, v6;
	v6 =	vshrl.u32 v19, $0x10;
	v21 =	vand.u32 $0xFFFF0000, v21  }
0x44: {  	v16 =	vand.u32 $0x1, v16;
	v29 =	vand.u32 $0x1, v6;
	v21 =	vmul.f32 v21, v14  }
0x45: {  	v17 =	vadd.s32 $0x7FFF, v17;
	v15 =	vadd.s32 v16, v15;
	v16 =	vadd.s32 v29, v19  }
0x46: {  	v6 =	vadd.f32 v21, v22;
	v21 =	vand.u32 $0x1, v27;
	v22 =	vand.u32 $0x1, v28  }
0x47: {  	v23 =	vadd.s32 $0x7FFF, v16;
	v19 =	vadd.s32 v21, v20;
	v20 =	vadd.s32 v22, v24  }
0x48: {  	v21 =	vadd.s32 v63, v26;
	v22 =	vadd.s32 $0x7FFF, v15;
	v15 =	vand.u32 $0xFFFF0000, v17  }
0x49: {  	s15 =	simm.s32 $0x100;
	s14 =	simm.s32 $0x20;
	v16 =	vadd.s32 $0x7FFF, v19;
	v19 =	vadd.s32 $0x7FFF, v20;
	v20 =	vadd.s32 $0x7FFF, v21  }
0x4a: {  	s16 =	simm.s32 $0x30;
	s17 =	sand.u32 $0x70, s14;
	s18 =	sor.u32 s15, s14;
	v21 =	vand.u32 $0xFFFF0000, v18;
	v17 =	vand.u32 $0xFFFF0000, v22;
	v18 =	vand.u32 $0xFFFF0000, v23  }
.LBB2_3:
0x4b: {  	p0 =	sne.s32 s16, $0x3F0;
	v22 =	vld [tilespmem:s14+$0x0];
	s19 =	sand.u32 $0x1C00, s15;
	s18 =	sor.u32 $0x380, s18;
	v16 =	vand.u32 $0xFFFF0000, v16;
	v19 =	vand.u32 $0xFFFF0000, v19;
	v20 =	vand.u32 $0xFFFF0000, v20  }
0x4c: {  	v15 =	vmul.f32 v15, v14;
	v21 =	vmul.f32 v21, v14;
	v5 =	vadd.f32 v13, v5;
	s17 =	sor.u32 s17, s19;
	v23 =	vld [tilespmem:s18+$0x400]  }
0x4d: {  	v13 =	vmul.f32 v17, v14;
	v17 =	vmul.f32 v18, v14;
	v24 =	vld [tilespmem:s17+$0x400]  }
0x4e: {  	v7 =	vadd.f32 v15, v7;
	v15 =	vmul.f32 v16, v14;
	v16 =	vmul.f32 v19, v14;
	v18 =	vld [tilespmem:s17+$0x480]  }
0x4f: {  	v8 =	vadd.f32 v21, v8;
	v9 =	vadd.f32 v13, v9;
	v13 =	vmul.f32 v20, v14;
	v19 =	vld [tilespmem:s17+$0x500]  }
0x50: {  	v10 =	vadd.f32 v17, v10;
	v11 =	vadd.f32 v15, v11;
	v20 =	vld [tilespmem:s17+$0x580]  }
0x51: {  	v12 =	vadd.f32 v16, v12;
	v14 =	vshrl.u32 v22, $0x10;
	v15 =	vld [tilespmem:s17+$0x600];
	v17 =	vshrl.u32 v23, $0x10  }
0x52: {  	v14 =	vand.u32 $0x1, v14;
	v16 =	vshrl.u32 v24, $0x10;
	v21 =	vld [tilespmem:s17+$0x680];
	v17 =	vand.u32 $0x1, v17  }
0x53: {  	v14 =	vadd.s32 v14, v22;
	v22 =	vshrl.u32 v18, $0x10;
	v25 =	vld [tilespmem:s17+$0x700];
	v17 =	vadd.s32 v17, v23  }
0x54: {  	v14 =	vadd.s32 $0x7FFF, v14;
	v23 =	vshrl.u32 v19, $0x10;
	v17 =	vadd.s32 $0x7FFF, v17  }
0x55: {  	v14 =	vand.u32 $0xFFFF0000, v14;
	v26 =	vshrl.u32 v20, $0x10;
	v17 =	vand.u32 $0xFFFF0000, v17  }
0x56: {  	v16 =	vand.u32 $0x1, v16;
	v27 =	vshrl.u32 v15, $0x10;
	v17 =	vmul.f32 v17, v14  }
0x57: {  	v22 =	vand.u32 $0x1, v22;
	v23 =	vand.u32 $0x1, v23;
	v28 =	vshrl.u32 v21, $0x10  }
0x58: {  	v26 =	vand.u32 $0x1, v26;
	v29 =	vshrl.u32 v25, $0x10;
	v6 =	vadd.f32 v17, v6  }
0x59: {  	v17 =	vand.u32 $0x1, v27;
	v27 =	vand.u32 $0x1, v28;
	v28 =	vand.u32 $0x1, v29  }
0x5a: {  	v16 =	vadd.s32 v16, v24;
	v18 =	vadd.s32 v22, v18;
	v19 =	vadd.s32 v23, v19  }
.Ltmp1:
0x5b: {  	v20 =	vadd.s32 v26, v20;
	v15 =	vadd.s32 v17, v15;
	v17 =	vadd.s32 v27, v21;
	(pc) =	sbr.rel @p0 .LBB2_3-.Ltmp1, $4  }
0x5c: {  	v18 =	vadd.s32 $0x7FFF, v18;
	v21 =	vadd.s32 $0x7FFF, v16;
	v22 =	vadd.s32 v28, v25  }
0x5d: {  	v23 =	vadd.s32 $0x7FFF, v19;
	v24 =	vadd.s32 $0x7FFF, v20;
	v16 =	vadd.s32 $0x7FFF, v15  }
0x5e: {  	s15 =	sadd.s32 $0x80, s15;
	s17 =	sand.u32 $0x70, s16;
	v15 =	vand.u32 $0xFFFF0000, v21;
	v19 =	vadd.s32 $0x7FFF, v17;
	v20 =	vadd.s32 $0x7FFF, v22  }
0x5f: {  	s14 =	sadd.s32 $0x10, s14;
	s18 =	sor.u32 s15, s16;
	s16 =	sadd.s32 $0x10, s16;
	v21 =	vand.u32 $0xFFFF0000, v18;
	v17 =	vand.u32 $0xFFFF0000, v23;
	v18 =	vand.u32 $0xFFFF0000, v24  }
0x60: {  	v22 =	vld [tilespmem:s14+$0x0];
	s30 =	sand.u32 $0x1C00, s15;
	s31 =	sor.u32 $0x380, s18  }
0x61: {  	s14 =	sor.u32 s17, s30;
	v23 =	vld [tilespmem:s31+$0x400]  }
0x62: {  	v43 =	vld [tilespmem:s14+$0x400]  }
0x63: {  	v16 =	vand.u32 $0xFFFF0000, v16;
	v19 =	vand.u32 $0xFFFF0000, v19;
	v24 =	vld [tilespmem:s14+$0x480]  }
0x64: {  	v20 =	vand.u32 $0xFFFF0000, v20;
	v15 =	vmul.f32 v15, v14;
	v21 =	vmul.f32 v21, v14;
	v46 =	vld [tilespmem:s14+$0x500]  }
0x65: {  	v5 =	vadd.f32 v13, v5;
	v17 =	vmul.f32 v17, v14;
	v18 =	vmul.f32 v18, v14;
	v50 =	vld [tilespmem:s14+$0x580]  }
0x66: {  	v44 =	vmul.f32 v16, v14;
	v45 =	vmul.f32 v19, v14;
	v7 =	vadd.f32 v15, v7;
	v53 =	vld [tilespmem:s14+$0x600]  }
0x67: {  	v47 =	vmul.f32 v20, v14;
	v8 =	vadd.f32 v21, v8;
	v9 =	vadd.f32 v17, v9;
	v55 =	vld [tilespmem:s14+$0x680]  }
0x68: {  	v10 =	vadd.f32 v18, v10;
	v56 =	vld [tilespmem:s14+$0x700];
	v11 =	vadd.f32 v44, v11  }
0x69: {  	v12 =	vadd.f32 v45, v12;
	v5 =	vadd.f32 v47, v5;
	v48 =	vshrl.u32 v22, $0x10  }
0x6a: {  	v49 =	vshrl.u32 v23, $0x10;
	v15 =	vand.u32 $0x1, v48;
	v51 =	vshrl.u32 v43, $0x10  }
0x6b: {  	v17 =	vand.u32 $0x1, v49;
	v15 =	vadd.s32 v15, v22;
	v52 =	vshrl.u32 v24, $0x10  }
0x6c: {  	v54 =	vshrl.u32 v46, $0x10;
	v57 =	vshrl.u32 v50, $0x10;
	v25 =	vshrl.u32 v53, $0x10  }
0x6d: {  	v26 =	vshrl.u32 v55, $0x10;
	v59 =	vshrl.u32 v56, $0x10;
	v17 =	vadd.s32 v17, v23  }
0x6e: {  	v15 =	vadd.s32 $0x7FFF, v15;
	v18 =	vand.u32 $0x1, v51;
	v20 =	vand.u32 $0x1, v52  }
0x6f: {  	v22 =	vand.u32 $0x1, v54;
	v58 =	vand.u32 $0x1, v57;
	v60 =	vand.u32 $0x1, v25  }
0x70: {  	v62 =	vand.u32 $0x1, v26;
	v17 =	vadd.s32 $0x7FFF, v17;
	v13 =	vadd.s32 v18, v43  }
0x71: {  	v15 =	vand.u32 $0xFFFF0000, v15;
	v20 =	vadd.s32 v20, v24;
	v24 =	vand.u32 $0x1, v59  }
0x72: {  	v19 =	vadd.s32 v22, v46;
	v28 =	vadd.s32 v60, v53;
	v13 =	vadd.s32 $0x7FFF, v13  }
0x73: {  	v29 =	vadd.s32 v62, v55;
	v20 =	vadd.s32 $0x7FFF, v20;
	v13 =	vand.u32 $0xFFFF0000, v13  }
0x74: {  	v17 =	vand.u32 $0xFFFF0000, v17;
	v20 =	vand.u32 $0xFFFF0000, v20;
	v13 =	vmul.f32 v13, v15  }
0x75: {  	v18 =	vadd.s32 v24, v56;
	v19 =	vadd.s32 $0x7FFF, v19;
	v20 =	vmul.f32 v20, v15  }
0x76: {  	v16 =	vadd.s32 $0x7FFF, v28;
	v17 =	vmul.f32 v17, v15;
	v7 =	vadd.f32 v13, v7  }
0x77: {  	v18 =	vadd.s32 $0x7FFF, v18;
	v19 =	vand.u32 $0xFFFF0000, v19;
	v8 =	vadd.f32 v20, v8  }
0x78: {  	v16 =	vand.u32 $0xFFFF0000, v16;
	v19 =	vmul.f32 v19, v15;
	v61 =	vperm.xlane v7, v0  }
0x79: {  	v18 =	vand.u32 $0xFFFF0000, v18;
	v16 =	vmul.f32 v16, v15;
	v63 =	vperm.xlane v8, v0  }
0x7a: {  	v6 =	vadd.f32 v17, v6;
	v17 =	vadd.s32 $0x7FFF, v29;
	v7 =	vadd.f32 v61, v7  }
0x7b: {  	v32 =	vmul.f32 v18, v15;
	v13 =	vadd.s32 v58, v50;
	v8 =	vadd.f32 v63, v8  }
0x7c: {  	v17 =	vand.u32 $0xFFFF0000, v17;
	v9 =	vadd.f32 v19, v9;
	v20 =	vperm.xlane v7, v1  }
0x7d: {  	v11 =	vadd.f32 v16, v11;
	v13 =	vadd.s32 $0x7FFF, v13;
	v30 =	vperm.xlane v8, v1  }
0x7e: {  	v17 =	vmul.f32 v17, v15;
	v13 =	vand.u32 $0xFFFF0000, v13;
	v7 =	vadd.f32 v20, v7  }
0x7f: {  	v43 =	vperm.xlane v6, v0;
	v13 =	vmul.f32 v13, v15;
	v8 =	vadd.f32 v30, v8  }
0x80: {  	v5 =	vadd.f32 v32, v5;
	v35 =	vperm.xlane v9, v0;
	v20 =	vperm.xlane v7, v2  }
0x81: {  	v37 =	vperm.xlane v11, v0;
	v10 =	vadd.f32 v13, v10;
	v31 =	vperm.xlane v8, v2  }
0x82: {  	v12 =	vadd.f32 v17, v12;
	v41 =	vperm.xlane v5, v0;
	v7 =	vadd.f32 v20, v7  }
0x83: {  	v6 =	vadd.f32 v43, v6;
	v36 =	vperm.xlane v10, v0;
	v8 =	vadd.f32 v31, v8  }
0x84: {  	v9 =	vadd.f32 v35, v9;
	v11 =	vadd.f32 v37, v11;
	v33 =	vperm.xlane v7, v3  }
0x85: {  	v39 =	vperm.xlane v12, v0;
	v38 =	vadd.f32 v36, v10;
	v34 =	vperm.xlane v8, v3  }
0x86: {  	v5 =	vadd.f32 v41, v5;
	v40 =	vperm.xlane v9, v1;
	v7 =	vadd.f32 v33, v7  }
0x87: {  	v10 =	vadd.f32 v39, v12;
	v42 =	vperm.xlane v38, v1;
	v8 =	vadd.f32 v34, v8  }
0x88: {  	v44 =	vperm.xlane v11, v1;
	v9 =	vadd.f32 v40, v9;
	v7 =	vnsel vm0, $0xFF800000, v7  }
0x89: {  	v45 =	vperm.xlane v10, v1;
	v7 =	vsel vm1, v7, v8;
	v8 =	vadd.f32 v42, v38  }
0x8a: {  	v47 =	vperm.xlane v5, v1;
	v11 =	vadd.f32 v44, v11;
	v46 =	vperm.xlane v9, v2  }
0x8b: {  	v48 =	vperm.xlane v6, v1;
	v10 =	vadd.f32 v45, v10;
	v15 =	vperm.xlane v8, v2  }
0x8c: {  	v5 =	vadd.f32 v47, v5;
	v49 =	vperm.xlane v11, v2;
	v9 =	vadd.f32 v46, v9  }
0x8d: {  	v6 =	vadd.f32 v48, v6;
	v50 =	vperm.xlane v10, v2;
	v8 =	vadd.f32 v15, v8  }
0x8e: {  	v52 =	vperm.xlane v5, v2;
	v11 =	vadd.f32 v49, v11;
	v51 =	vperm.xlane v9, v3  }
0x8f: {  	v53 =	vperm.xlane v6, v2;
	v10 =	vadd.f32 v50, v10;
	v15 =	vperm.xlane v8, v3  }
0x90: {  	v5 =	vadd.f32 v52, v5;
	v54 =	vperm.xlane v11, v3;
	v9 =	vadd.f32 v51, v9  }
0x91: {  	v6 =	vadd.f32 v53, v6;
	v55 =	vperm.xlane v10, v3;
	v8 =	vadd.f32 v15, v8  }
0x92: {  	v57 =	vperm.xlane v5, v3;
	v56 =	vadd.f32 v54, v11;
	v7 =	vsel vm2, v7, v9  }
0x93: {  	v59 =	vperm.xlane v6, v3;
	v58 =	vadd.f32 v55, v10;
	v7 =	vsel vm3, v7, v8  }
0x94: {  	v5 =	vadd.f32 v57, v5;
	v7 =	vsel vm4, v7, v56  }
0x95: {  	v6 =	vadd.f32 v59, v6;
	v7 =	vsel vm5, v7, v58  }
0x96: {  	v5 =	vsel vm6, v7, v5  }
0x97: {  	v5 =	vsel vm7, v5, v6  }
0x98: {  	v6 =	vperm.xlane v5, v0;
	_ =	sdelay $0x1  }
0x99: {  	v6 =	vmax.f32 v5, v6  }
0x9a: {  	v7 =	vperm.xlane v6, v1;
	_ =	sdelay $0x1  }
0x9b: {  	v6 =	vmax.f32 v6, v7  }
0x9c: {  	v7 =	vperm.xlane v6, v2;
	_ =	sdelay $0x1  }
0x9d: {  	v6 =	vmax.f32 v6, v7  }
0x9e: {  	v7 =	vperm.xlane v6, v3;
	_ =	sdelay $0x1  }
0x9f: {  	v6 =	vmax.f32 v6, v7  }
0xa0: {  	vm8 =	veq.f32 v5, v6  }
0xa1: {  	v6 =	vnsel vm8, $0x10, v4  }
0xa2: {  	v7 =	vperm.xlane v6, v0;
	_ =	sdelay $0x1  }
0xa3: {  	vm8 =	vlt.s32 v6, v7  }
0xa4: {  	v6 =	vsel vm8, v6, v7  }
0xa5: {  	v7 =	vperm.xlane v6, v1;
	_ =	sdelay $0x1  }
0xa6: {  	vm8 =	vlt.s32 v6, v7  }
0xa7: {  	v6 =	vsel vm8, v6, v7  }
0xa8: {  	v7 =	vperm.xlane v6, v2;
	_ =	sdelay $0x1  }
0xa9: {  	vm8 =	vlt.s32 v6, v7  }
0xaa: {  	v6 =	vsel vm8, v6, v7  }
0xab: {  	v7 =	vperm.xlane v6, v3;
	_ =	sdelay $0x1  }
0xac: {  	vm8 =	vlt.s32 v6, v7  }
0xad: {  	v6 =	vsel vm8, v6, v7  }
0xae: {  	vm8 =	veq.s32 v6, v4  }
0xaf: {  	v6 =	vsel vm8, $0xFF800000, v5  }
0xb0: {  	v7 =	vperm.xlane v6, v0;
	_ =	sdelay $0x1  }
0xb1: {  	v7 =	vmax.f32 v6, v7  }
0xb2: {  	v60 =	vperm.xlane v7, v1;
	_ =	sdelay $0x1  }
0xb3: {  	v7 =	vmax.f32 v7, v60  }
0xb4: {  	v8 =	vperm.xlane v7, v2  }
0xb5: {  	v61 =	vsub.f32 $0.0e+00, v5  }
0xb6: {  	v7 =	vmax.f32 v7, v8  }
0xb7: {  	v62 =	vmul.f32 $1.442695020e+00, v61;
	v63 =	vperm.xlane v7, v3;
	_ =	sdelay $0x1  }
0xb8: {  	(erf) = vpow2.f32 v62;
	v7 =	vmax.f32 v7, v63  }
0xb9: {  	vm9 =	veq.f32 v6, v7  }
0xba: {  	v6 =	vnsel vm9, $0x10, v4  }
0xbb: {  	v7 =	vperm.xlane v6, v0;
	_ =	sdelay $0x1  }
0xbc: {  	vm9 =	vlt.s32 v6, v7  }
0xbd: {  	v6 =	vsel vm9, v6, v7  }
0xbe: {  	v7 =	vperm.xlane v6, v1;
	_ =	sdelay $0x1  }
0xbf: {  	v8 =	vpop (erf);
	vm9 =	vlt.s32 v6, v7  }
0xc0: {  	v8 =	vadd.f32 $1.000000000e+00, v8;
	v6 =	vsel vm9, v6, v7  }
0xc1: {  	v7 =	vperm.xlane v6, v2  }
0xc2: {  	(erf) = vrcp.f32 v8  }
0xc3: {  	vm9 =	vlt.s32 v6, v7  }
0xc4: {  	v6 =	vsel vm9, v6, v7  }
0xc5: {  	v7 =	vperm.xlane v6, v3;
	_ =	sdelay $0x1  }
0xc6: {  	vm9 =	vlt.s32 v6, v7  }
0xc7: {  	v6 =	vsel vm9, v6, v7;
	_ =	sdelay $0x1  }
0xc8: {  	vm9 =	veq.s32 v6, v4  }
0xc9: {  	vm8 =	vmor vm8, vm9;
	v6 =	vpop (erf)  }
0xca: {  	[tilespmem:$0x2400] =	vst v5;
	v6 =	vnsel vm8, $0x0, v6  }
0xcb: {  	[tilespmem:$0x2480] =	vst v6  }
0xcc: {  	[hbm4b:s4+s3] =	stream.linear.scatter [tilespmem:s11], [sflag:$0x1], $0x8, $0x38;
	[tilespmem:$0x2500] =	vst v63  }
0xcd: {  	s13 =	sadd.s32 $0x1, s13;
	_ =	swait.ge [sflag:s10], $0x8  }
0xce: {  	p0 =	sne.s32 s13, s7;
	[sflag:s10] =	ssyncset.done $0x0  }
.Ltmp2:
0xcf: {  	[sflag:s10] =	ssyncadd.s32 $0xFFFFFFF8;
	(pc) =	sbr.rel @p0 .LBB2_2-.Ltmp2, $4  }
0xd0: {  	[hbm4b:s5+s3] =	stream.linear.scatter [tilespmem:s12], [sflag:$0x1], $0x8, $0x38;
	[tilespmem:$0x2500] =	vst v63  }
0xd1: {  	_ =	swait.ge [sflag:s10], $0x8  }
0xd2: {  	[sflag:s10] =	ssyncset.done $0x0  }
0xd3: {  	[sflag:s10] =	ssyncadd.s32 $0xFFFFFFF8  }
.LBB2_5:
0xd4: {  	_ =	sfence.sel $0x180000  }
0xd5: {  	[bflag:$0x0] =	sbarrier.arrive $0xFFFF  }
0xd6: {  	p0 =	sne.s32 s2, $0x0;
	_ =	strace $0x90000047  }
0xd7: {  	s0 =	sadd.s32 @!p0 $0x100000, s0;
	[bflag:$0x2] =	sbarrier.arrive $0xFFFF  }
0xd8: {  	[sflag:s0] =	ssyncadd.tile.s32 @!p0 $0x1;
	_ =	shalt  }
.Lfunc_end2:
_tile_overlayer_lowered:
.L_overlay_start_2:
0xd9: {  	(tag) =	ssettag $0x2  }
0xda: {  	s0 =	rddreg [dreg:$0x0];
	s2 =	stileid.u32  }
0xdb: {  	s1 =	rddreg [dreg:$0x1];
	p0 =	sne.s32 s2, $0x0  }
0xdc: {  	s3 =	rddreg [dreg:$0x2];
	[bflag:$0x3] =	sbarrier.arrive $0xFFFF;
	s2 =	simm.s32 @!p0 $0x1C01  }
0xdd: {  	[timem:s3], [sflag:s2] =	dma.local @!p0 [hbm:s0], s1  }
0xde: {  	s0 =	simm.s32 @!p0 $0x1  }
0xdf: {  	_ =	swait.ge @!p0 [sflag:s0], s1  }
0xe0: {  	s1 =	ssub.s32 @!p0 $0x0, s1;
	[sflag:s0] =	ssyncset.done @!p0 $0x0  }
0xe1: {  	[sflag:s0] =	ssyncadd.s32 @!p0 s1  }
0xe2: {  	[bflag:$0x3] =	sbarrier.arrive $0xFFFF  }
0xe3: {  	_ =	shalt  }

</sc_bundles>
